<compile_context>
chip_gen: v7x
topology: tpu7x:2x2x1
jax: 0.10.2.dev20260603
libtpu: 0.0.44.dev20260713+nightly
codegen_flags: <defaults>
</compile_context>

<pallas_src>
import functools

import jax
import jax.numpy as jnp
from jax import lax
from jax.experimental import pallas as pl
from jax.experimental.pallas import tpu as pltpu
from jax.experimental.pallas import tpu_sc as plsc

NC = 2
NS = 16
NW = NC * NS

BATCH = 4096
SEQ = 200
DIM = 64
PAIRS = SEQ // 2
BPW = BATCH // NW
LANES = 16
GROUPS = DIM // LANES
RUNROLL = 4


def _sc_body(xT_hbm, pos_hbm, wword_hbm, out_hbm,
             idx_v, pos_v, gb0, gb1, ob0, ob1,
             gsem0, gsem1, wsem0, wsem1):
    c = lax.axis_index("c")
    s = lax.axis_index("s")
    wid = s * NC + c
    b0 = wid * BPW

    gb = (gb0, gb1)
    ob = (ob0, ob1)
    gsem = (gsem0, gsem1)
    wsem = (wsem0, wsem1)

    pltpu.sync_copy(xT_hbm.at[:, pl.ds(b0, BPW)], idx_v)
    pltpu.sync_copy(pos_hbm, pos_v)

    def gather_desc(l, par):
        return pltpu.make_async_copy(wword_hbm.at[idx_v.at[l]], gb[par],
                                     gsem[par])

    def write_desc(l, par):
        return pltpu.make_async_copy(
            ob[par],
            out_hbm.at[l // 2, pl.ds(b0, BPW), pl.ds(DIM * (l % 2), DIM)],
            wsem[par])

    gather_desc(0, 0).start()
    gather_desc(1, 1).start()

    def step(i, carry):
        for par in range(2):
            l = 2 * i + par
            gather_desc(l, par).wait()
            @pl.when(i >= 1)
            def _():
                write_desc(l - 2, par).wait()
            p = [pos_v[l, pl.ds(LANES * g, LANES)] for g in range(GROUPS)]
            gbuf = gb[par]
            obuf = ob[par]

            def add_block(r4, carry2):
                for rr in range(RUNROLL):
                    r = r4 * RUNROLL + rr
                    for g in range(GROUPS):
                        sl = pl.ds(LANES * g, LANES)
                        obuf[r, sl] = gbuf[r, sl] + p[g]
                return carry2

            lax.fori_loop(0, BPW // RUNROLL, add_block, 0)
            @pl.when(l + 2 < SEQ)
            def _():
                gather_desc(l + 2, par).start()
            write_desc(l, par).start()
        return carry

    lax.fori_loop(0, SEQ // 2, step, 0)
    write_desc(SEQ - 2, 0).wait()
    write_desc(SEQ - 1, 1).wait()


TPB = 4


def _tc_transpose_body(in_ref, out_ref):
    for k in range(TPB):
        out_ref[pl.ds(2 * DIM * k, 2 * DIM), :] = in_ref[k].T


@functools.partial(jax.jit, donate_argnums=())
def kernel(x, W_pos, W_word):
    xT = x.T
    pos = W_pos[:SEQ]
    mesh = plsc.VectorSubcoreMesh(core_axis_name="c", subcore_axis_name="s",
                                  num_cores=NC, num_subcores=NS)
    run = pl.kernel(
        _sc_body,
        out_type=jax.ShapeDtypeStruct((PAIRS, BATCH, 2 * DIM), jnp.float32),
        mesh=mesh,
        scratch_types=[
            pltpu.VMEM((SEQ, BPW), jnp.int32),
            pltpu.VMEM((SEQ, DIM), jnp.float32),
            pltpu.VMEM((BPW, DIM), jnp.float32),
            pltpu.VMEM((BPW, DIM), jnp.float32),
            pltpu.VMEM((BPW, DIM), jnp.float32),
            pltpu.VMEM((BPW, DIM), jnp.float32),
            pltpu.SemaphoreType.DMA,
            pltpu.SemaphoreType.DMA,
            pltpu.SemaphoreType.DMA,
            pltpu.SemaphoreType.DMA,
        ],
        compiler_params=pltpu.CompilerParams(use_tc_tiling_on_sc=False),
    )
    mid = run(xT, pos, W_word)

    outT = pl.pallas_call(
        _tc_transpose_body,
        grid=(PAIRS // TPB,),
        in_specs=[pl.BlockSpec((TPB, BATCH, 2 * DIM), lambda P: (P, 0, 0))],
        out_specs=pl.BlockSpec((TPB * 2 * DIM, BATCH), lambda P: (P, 0)),
        out_shape=jax.ShapeDtypeStruct((PAIRS * 2 * DIM, BATCH), jnp.float32),
    )(mid)

    return jnp.transpose(outT.reshape(SEQ, DIM, BATCH), (2, 0, 1))

# --- scband reference (transcript-rebuilt; emitter-appended) ---
"""Pipeline reference for scband-postitionaland-word-encoding-42606075576665 (READ-ONLY COPY).

The authoritative reference and input builder live on the scoring server;
editing this copy changes nothing except your own understanding.
"""

import jax, jax.numpy as jnp
import numpy as np

VOCAB = 1000000
EMBED_DIM = 64
BATCH = 4096
SEQ = 200

def setup_inputs(seed: int = 0) -> dict:
    key = jax.random.key(seed)
    k1, k2, k3 = jax.random.split(key, 3)
    x = jax.random.randint(k1, (BATCH, SEQ), 0, VOCAB, dtype=jnp.int32)
    W_pos = jax.random.normal(k2, (VOCAB, EMBED_DIM), dtype=jnp.float32) * 0.02
    W_word = jax.random.normal(k3, (VOCAB, EMBED_DIM), dtype=jnp.float32) * 0.02
    return {"x": x, "W_pos": W_pos, "W_word": W_word}

def reference(x, W_pos, W_word):
    # Faithful translation of PostitionalandWordEncoding.forward
    # dropout is identity in eval/inference mode
    N, length = x.shape
    rang = jnp.broadcast_to(jnp.arange(0, length, 1, dtype=jnp.int32)[None, :], (N, length))
    pos_emb = jnp.take(W_pos, rang, axis=0)   # embedding(rang): [N, L, D]
    word_emb = jnp.take(W_word, x, axis=0)    # embedding1(x): [N, L, D]
    out = pos_emb + word_emb
    return out

if __name__ == "__main__":
    import jax
    _d = setup_inputs()
    print(jax.jit(kernel)(*tuple(_d.values())))

</pallas_src>

<mosaic_0001>
#map = affine_map<(d0, d1) -> (0, 0)>
#map1 = affine_map<(d0, d1) -> (0, 0, 0)>
module attributes {stable_mosaic.version = 14 : i64} {
  func.func @_sc_body(%arg0: i32, %arg1: i32, %arg2: memref<200x4096xi32, #tpu.memory_space<hbm>>, %arg3: memref<200x64xf32, #tpu.memory_space<hbm>>, %arg4: memref<1000000x64xf32, #tpu.memory_space<hbm>>, %arg5: memref<100x4096x128xf32, #tpu.memory_space<hbm>>, %arg6: memref<200x128xi32, #tpu.memory_space<vmem>>, %arg7: memref<200x64xf32, #tpu.memory_space<vmem>>, %arg8: memref<128x64xf32, #tpu.memory_space<vmem>>, %arg9: memref<128x64xf32, #tpu.memory_space<vmem>>, %arg10: memref<128x64xf32, #tpu.memory_space<vmem>>, %arg11: memref<128x64xf32, #tpu.memory_space<vmem>>, %arg12: memref<!tpu.dma_semaphore, #tpu.memory_space<semaphore_mem>>, %arg13: memref<!tpu.dma_semaphore, #tpu.memory_space<semaphore_mem>>, %arg14: memref<!tpu.dma_semaphore, #tpu.memory_space<semaphore_mem>>, %arg15: memref<!tpu.dma_semaphore, #tpu.memory_space<semaphore_mem>>) attributes {dimension_semantics = [#tpu.dimension_semantics<core_parallel>, #tpu.dimension_semantics<subcore_parallel>], iteration_bounds = array<i64: 2, 16>, scalar_prefetch = 0 : i64, scratch_operands = 10 : i64, tpu.core_type = #tpu.core_type<sc_vector_subcore>, window_params = [{transform_indices = #map}, {transform_indices = #map}, {transform_indices = #map}, {transform_indices = #map1}]} {
    %mul3A = arith.constant 2 : i32
    %mul3A_0 = arith.muli %arg1, %mul3A : i32
    %add3A = arith.addi %mul3A_0, %arg0 : i32
    %mul3A_1 = arith.constant 128 : i32
    %mul3A_2 = arith.muli %add3A, %mul3A_1 : i32
    "tpu.region"() ({
      %run_scoped3A = tpu.sem_alloc : memref<!tpu.dma_semaphore, #tpu.memory_space<semaphore_mem>>
      %dma_start3A_34 = arith.constant 0 : i32
      %dma_start3A_35 = tpu.memref_slice %arg2[%dma_start3A_34, %mul3A_2] : memref<200x4096xi32, #tpu.memory_space<hbm>> -> memref<200x128xi32, #tpu.memory_space<hbm>>
      %dma_start3A_36 = arith.constant 0 : i32
      %dma_start3A_37 = tpu.memref_slice %arg2[%dma_start3A_36, %mul3A_2] : memref<200x4096xi32, #tpu.memory_space<hbm>> -> memref<200x128xi32, #tpu.memory_space<hbm>>
      tpu.enqueue_dma source(%dma_start3A_37 : memref<200x128xi32, #tpu.memory_space<hbm>>) target(%arg6 : memref<200x128xi32, #tpu.memory_space<vmem>>) target_semaphore(%run_scoped3A : memref<!tpu.dma_semaphore, #tpu.memory_space<semaphore_mem>>)
      %dma_wait3A_38 = arith.constant 0 : i32
      %dma_wait3A_39 = tpu.memref_slice %arg2[%dma_wait3A_38, %mul3A_2] : memref<200x4096xi32, #tpu.memory_space<hbm>> -> memref<200x128xi32, #tpu.memory_space<hbm>>
      %dma_wait3A_40 = arith.constant 0 : i32
      %dma_wait3A_41 = tpu.memref_slice %arg2[%dma_wait3A_40, %mul3A_2] : memref<200x4096xi32, #tpu.memory_space<hbm>> -> memref<200x128xi32, #tpu.memory_space<hbm>>
      tpu.wait_dma2 semaphore(%run_scoped3A : memref<!tpu.dma_semaphore, #tpu.memory_space<semaphore_mem>>) src(%dma_wait3A_41 : memref<200x128xi32, #tpu.memory_space<hbm>>) dst(%arg6 : memref<200x128xi32, #tpu.memory_space<vmem>>)
      tpu.yield
    }) : () -> ()
    "tpu.region"() ({
      %run_scoped3A = tpu.sem_alloc : memref<!tpu.dma_semaphore, #tpu.memory_space<semaphore_mem>>
      tpu.enqueue_dma source(%arg3 : memref<200x64xf32, #tpu.memory_space<hbm>>) target(%arg7 : memref<200x64xf32, #tpu.memory_space<vmem>>) target_semaphore(%run_scoped3A : memref<!tpu.dma_semaphore, #tpu.memory_space<semaphore_mem>>)
      tpu.wait_dma2 semaphore(%run_scoped3A : memref<!tpu.dma_semaphore, #tpu.memory_space<semaphore_mem>>) src(%arg3 : memref<200x64xf32, #tpu.memory_space<hbm>>) dst(%arg7 : memref<200x64xf32, #tpu.memory_space<vmem>>)
      tpu.yield
    }) : () -> ()
    %dma_start3A = arith.constant 0 : i32
    %dma_start3A_3 = arith.constant 0 : i32
    %dma_start3A_4 = tpu.memref_slice %arg6[%dma_start3A, %dma_start3A_3] : memref<200x128xi32, #tpu.memory_space<vmem>> -> memref<1x128xi32, #tpu.memory_space<vmem>>
    %dma_start3A_5 = tpu.memref_squeeze %dma_start3A_4 : memref<1x128xi32, #tpu.memory_space<vmem>> -> memref<128xi32, #tpu.memory_space<vmem>>
    %dma_start3A_6 = arith.constant 0 : i32
    %dma_start3A_7 = arith.constant 0 : i32
    %dma_start3A_8 = tpu.memref_slice %arg4[%dma_start3A_6, %dma_start3A_7] : memref<1000000x64xf32, #tpu.memory_space<hbm>> -> memref<1000000x64xf32, #tpu.memory_space<hbm>>
    tpu.enqueue_indirect_dma source(%dma_start3A_8 : memref<1000000x64xf32, #tpu.memory_space<hbm>>) target(%arg8 : memref<128x64xf32, #tpu.memory_space<vmem>>) offsets(%dma_start3A_5 : memref<128xi32, #tpu.memory_space<vmem>>) semaphore(%arg12 : memref<!tpu.dma_semaphore, #tpu.memory_space<semaphore_mem>>)
    %dma_start3A_9 = arith.constant 1 : i32
    %dma_start3A_10 = arith.constant 0 : i32
    %dma_start3A_11 = tpu.memref_slice %arg6[%dma_start3A_9, %dma_start3A_10] : memref<200x128xi32, #tpu.memory_space<vmem>> -> memref<1x128xi32, #tpu.memory_space<vmem>>
    %dma_start3A_12 = tpu.memref_squeeze %dma_start3A_11 : memref<1x128xi32, #tpu.memory_space<vmem>> -> memref<128xi32, #tpu.memory_space<vmem>>
    %dma_start3A_13 = arith.constant 0 : i32
    %dma_start3A_14 = arith.constant 0 : i32
    %dma_start3A_15 = tpu.memref_slice %arg4[%dma_start3A_13, %dma_start3A_14] : memref<1000000x64xf32, #tpu.memory_space<hbm>> -> memref<1000000x64xf32, #tpu.memory_space<hbm>>
    tpu.enqueue_indirect_dma source(%dma_start3A_15 : memref<1000000x64xf32, #tpu.memory_space<hbm>>) target(%arg9 : memref<128x64xf32, #tpu.memory_space<vmem>>) offsets(%dma_start3A_12 : memref<128xi32, #tpu.memory_space<vmem>>) semaphore(%arg13 : memref<!tpu.dma_semaphore, #tpu.memory_space<semaphore_mem>>)
    %scan3A = arith.constant 0 : i32
    %scan3A_16 = arith.constant 0 : i32
    %scan3A_17 = arith.constant 100 : i32
    %scan3A_18 = arith.addi %scan3A_16, %scan3A_17 : i32
    %scan3A_19 = arith.constant 1 : i32
    scf.for %scan3A_34 = %scan3A_16 to %scan3A_18 step %scan3A_19  : i32 {
      %mul3A_35 = arith.constant 2 : i32
      %mul3A_36 = arith.muli %mul3A_35, %scan3A_34 : i32
      %add3A_37 = arith.constant 0 : i32
      %add3A_38 = arith.addi %mul3A_36, %add3A_37 : i32
      %dma_wait3A_39 = arith.constant 0 : i32
      %dma_wait3A_40 = tpu.memref_slice %arg6[%add3A_38, %dma_wait3A_39] : memref<200x128xi32, #tpu.memory_space<vmem>> -> memref<1x128xi32, #tpu.memory_space<vmem>>
      %dma_wait3A_41 = tpu.memref_squeeze %dma_wait3A_40 : memref<1x128xi32, #tpu.memory_space<vmem>> -> memref<128xi32, #tpu.memory_space<vmem>>
      %dma_wait3A_42 = arith.constant 0 : i32
      %dma_wait3A_43 = arith.constant 0 : i32
      %dma_wait3A_44 = tpu.memref_slice %arg4[%dma_wait3A_42, %dma_wait3A_43] : memref<1000000x64xf32, #tpu.memory_space<hbm>> -> memref<1000000x64xf32, #tpu.memory_space<hbm>>
      tpu.wait_indirect_dma semaphore(%arg12 : memref<!tpu.dma_semaphore, #tpu.memory_space<semaphore_mem>>) src(%dma_wait3A_44 : memref<1000000x64xf32, #tpu.memory_space<hbm>>) dst(%arg8 : memref<128x64xf32, #tpu.memory_space<vmem>>)
      %ge3A = arith.constant 1 : i32
      %ge3A_45 = arith.cmpi sge, %scan3A_34, %ge3A : i32
      %convert_element_type3A = arith.extui %ge3A_45 : i1 to i32
      %cond3A = arith.constant 0 : i32
      %cond3A_46 = arith.cmpi ne, %convert_element_type3A, %cond3A : i32
      scf.if %cond3A_46 {
        %sub3A_201 = arith.constant 2 : i32
        %sub3A_202 = arith.subi %add3A_38, %sub3A_201 : i32
        %jit3A_203 = arith.constant 2 : i32
        %div3A_204 = arith.divsi %sub3A_202, %jit3A_203 : i32
        %sign3A_205 = arith.constant 0 : i32
        %sign3A_206 = arith.cmpi sgt, %sub3A_202, %sign3A_205 : i32
        %sign3A_207 = arith.extui %sign3A_206 : i1 to i32
        %sign3A_208 = arith.constant 0 : i32
        %sign3A_209 = arith.cmpi slt, %sub3A_202, %sign3A_208 : i32
        %sign3A_210 = arith.extui %sign3A_209 : i1 to i32
        %sign3A_211 = arith.subi %sign3A_207, %sign3A_210 : i32
        %sign3A_212 = arith.constant 0 : i32
        %sign3A_213 = arith.cmpi sgt, %jit3A_203, %sign3A_212 : i32
        %sign3A_214 = arith.extui %sign3A_213 : i1 to i32
        %sign3A_215 = arith.constant 0 : i32
        %sign3A_216 = arith.cmpi slt, %jit3A_203, %sign3A_215 : i32
        %sign3A_217 = arith.extui %sign3A_216 : i1 to i32
        %sign3A_218 = arith.subi %sign3A_214, %sign3A_217 : i32
        %ne3A_219 = arith.cmpi ne, %sign3A_211, %sign3A_218 : i32
        %rem3A_220 = arith.remsi %sub3A_202, %jit3A_203 : i32
        %ne3A_221 = arith.constant 0 : i32
        %ne3A_222 = arith.cmpi ne, %rem3A_220, %ne3A_221 : i32
        %and3A_223 = arith.andi %ne3A_219, %ne3A_222 : i1
        %sub3A_224 = arith.constant 1 : i32
        %sub3A_225 = arith.subi %div3A_204, %sub3A_224 : i32
        %select_n3A_226 = arith.select %and3A_223, %sub3A_225, %div3A_204 : i32
        %jit3A_227 = arith.constant 2 : i32
        %eq3A_228 = arith.constant 0 : i32
        %eq3A_229 = arith.cmpi eq, %jit3A_227, %eq3A_228 : i32
        %jit3A_230 = arith.constant 1 : i32
        %select_n3A_231 = arith.select %eq3A_229, %jit3A_230, %jit3A_227 : i32
        %rem3A_232 = arith.remsi %sub3A_202, %select_n3A_231 : i32
        %ne3A_233 = arith.constant 0 : i32
        %ne3A_234 = arith.cmpi ne, %rem3A_232, %ne3A_233 : i32
        %lt3A_235 = arith.constant 0 : i32
        %lt3A_236 = arith.cmpi slt, %rem3A_232, %lt3A_235 : i32
        %lt3A_237 = arith.constant 0 : i32
        %lt3A_238 = arith.cmpi slt, %select_n3A_231, %lt3A_237 : i32
        %ne3A_239 = arith.xori %lt3A_236, %lt3A_238 : i1
        %and3A_240 = arith.andi %ne3A_239, %ne3A_234 : i1
        %add3A_241 = arith.addi %rem3A_232, %select_n3A_231 : i32
        %select_n3A_242 = arith.select %and3A_240, %add3A_241, %rem3A_232 : i32
        %mul3A_243 = arith.constant 64 : i32
        %mul3A_244 = arith.muli %mul3A_243, %select_n3A_242 : i32
        %dma_wait3A_245 = tpu.memref_slice %arg5[%select_n3A_226, %mul3A_2, %mul3A_244] : memref<100x4096x128xf32, #tpu.memory_space<hbm>> -> memref<1x128x64xf32, #tpu.memory_space<hbm>>
        %dma_wait3A_246 = tpu.memref_squeeze %dma_wait3A_245 : memref<1x128x64xf32, #tpu.memory_space<hbm>> -> memref<128x64xf32, #tpu.memory_space<hbm>>
        %dma_wait3A_247 = tpu.memref_slice %arg5[%select_n3A_226, %mul3A_2, %mul3A_244] : memref<100x4096x128xf32, #tpu.memory_space<hbm>> -> memref<1x128x64xf32, #tpu.memory_space<hbm>>
        %dma_wait3A_248 = tpu.memref_squeeze %dma_wait3A_247 : memref<1x128x64xf32, #tpu.memory_space<hbm>> -> memref<128x64xf32, #tpu.memory_space<hbm>>
        tpu.wait_dma2 semaphore(%arg14 : memref<!tpu.dma_semaphore, #tpu.memory_space<semaphore_mem>>) src(%arg10 : memref<128x64xf32, #tpu.memory_space<vmem>>) dst(%dma_wait3A_248 : memref<128x64xf32, #tpu.memory_space<hbm>>)
      } else {
      }
      %get3A = arith.index_cast %add3A_38 : i32 to index
      %get3A_47 = arith.constant 0 : index
      %get3A_48 = tpu.vector_load %arg7[%get3A, %get3A_47] {strides = array<i32>} : memref<200x64xf32, #tpu.memory_space<vmem>>, vector<1x16xf32>,
      %get3A_49 = vector.shape_cast %get3A_48 : vector<1x16xf32> to vector<16xf32>
      %get3A_50 = arith.index_cast %add3A_38 : i32 to index
      %get3A_51 = arith.constant 16 : index
      %get3A_52 = tpu.vector_load %arg7[%get3A_50, %get3A_51] {strides = array<i32>} : memref<200x64xf32, #tpu.memory_space<vmem>>, vector<1x16xf32>,
      %get3A_53 = vector.shape_cast %get3A_52 : vector<1x16xf32> to vector<16xf32>
      %get3A_54 = arith.index_cast %add3A_38 : i32 to index
      %get3A_55 = arith.constant 32 : index
      %get3A_56 = tpu.vector_load %arg7[%get3A_54, %get3A_55] {strides = array<i32>} : memref<200x64xf32, #tpu.memory_space<vmem>>, vector<1x16xf32>,
      %get3A_57 = vector.shape_cast %get3A_56 : vector<1x16xf32> to vector<16xf32>
      %get3A_58 = arith.index_cast %add3A_38 : i32 to index
      %get3A_59 = arith.constant 48 : index
      %get3A_60 = tpu.vector_load %arg7[%get3A_58, %get3A_59] {strides = array<i32>} : memref<200x64xf32, #tpu.memory_space<vmem>>, vector<1x16xf32>,
      %get3A_61 = vector.shape_cast %get3A_60 : vector<1x16xf32> to vector<16xf32>
      %scan3A_62 = arith.constant 0 : i32
      %scan3A_63 = arith.constant 0 : i32
      %scan3A_64 = arith.constant 32 : i32
      %scan3A_65 = arith.addi %scan3A_63, %scan3A_64 : i32
      %scan3A_66 = arith.constant 1 : i32
      scf.for %scan3A_201 = %scan3A_63 to %scan3A_65 step %scan3A_66  : i32 {
        %mul3A_202 = arith.constant 4 : i32
        %mul3A_203 = arith.muli %scan3A_201, %mul3A_202 : i32
        %add3A_204 = arith.constant 0 : i32
        %add3A_205 = arith.addi %mul3A_203, %add3A_204 : i32
        %get3A_206 = arith.index_cast %add3A_205 : i32 to index
        %get3A_207 = arith.constant 0 : index
        %get3A_208 = tpu.vector_load %arg8[%get3A_206, %get3A_207] {strides = array<i32>} : memref<128x64xf32, #tpu.memory_space<vmem>>, vector<1x16xf32>,
        %get3A_209 = vector.shape_cast %get3A_208 : vector<1x16xf32> to vector<16xf32>
        %add3A_210 = arith.addf %get3A_209, %get3A_49 : vector<16xf32>
        %swap3A = arith.index_cast %add3A_205 : i32 to index
        %swap3A_211 = arith.constant 0 : index
        %swap3A_212 = tpu.vector_load %arg10[%swap3A, %swap3A_211] {strides = array<i32>} : memref<128x64xf32, #tpu.memory_space<vmem>>, vector<1x16xf32>,
        %swap3A_213 = vector.shape_cast %swap3A_212 : vector<1x16xf32> to vector<16xf32>
        %swap3A_214 = vector.shape_cast %add3A_210 : vector<16xf32> to vector<1x16xf32>
        tpu.vector_store %arg10[%swap3A, %swap3A_211], %swap3A_214 {strides = array<i32>} : memref<128x64xf32, #tpu.memory_space<vmem>>, vector<1x16xf32>,
        %get3A_215 = arith.index_cast %add3A_205 : i32 to index
        %get3A_216 = arith.constant 16 : index
        %get3A_217 = tpu.vector_load %arg8[%get3A_215, %get3A_216] {strides = array<i32>} : memref<128x64xf32, #tpu.memory_space<vmem>>, vector<1x16xf32>,
        %get3A_218 = vector.shape_cast %get3A_217 : vector<1x16xf32> to vector<16xf32>
        %add3A_219 = arith.addf %get3A_218, %get3A_53 : vector<16xf32>
        %swap3A_220 = arith.index_cast %add3A_205 : i32 to index
        %swap3A_221 = arith.constant 16 : index
        %swap3A_222 = tpu.vector_load %arg10[%swap3A_220, %swap3A_221] {strides = array<i32>} : memref<128x64xf32, #tpu.memory_space<vmem>>, vector<1x16xf32>,
        %swap3A_223 = vector.shape_cast %swap3A_222 : vector<1x16xf32> to vector<16xf32>
        %swap3A_224 = vector.shape_cast %add3A_219 : vector<16xf32> to vector<1x16xf32>
        tpu.vector_store %arg10[%swap3A_220, %swap3A_221], %swap3A_224 {strides = array<i32>} : memref<128x64xf32, #tpu.memory_space<vmem>>, vector<1x16xf32>,
        %get3A_225 = arith.index_cast %add3A_205 : i32 to index
        %get3A_226 = arith.constant 32 : index
        %get3A_227 = tpu.vector_load %arg8[%get3A_225, %get3A_226] {strides = array<i32>} : memref<128x64xf32, #tpu.memory_space<vmem>>, vector<1x16xf32>,
        %get3A_228 = vector.shape_cast %get3A_227 : vector<1x16xf32> to vector<16xf32>
        %add3A_229 = arith.addf %get3A_228, %get3A_57 : vector<16xf32>
        %swap3A_230 = arith.index_cast %add3A_205 : i32 to index
        %swap3A_231 = arith.constant 32 : index
        %swap3A_232 = tpu.vector_load %arg10[%swap3A_230, %swap3A_231] {strides = array<i32>} : memref<128x64xf32, #tpu.memory_space<vmem>>, vector<1x16xf32>,
        %swap3A_233 = vector.shape_cast %swap3A_232 : vector<1x16xf32> to vector<16xf32>
        %swap3A_234 = vector.shape_cast %add3A_229 : vector<16xf32> to vector<1x16xf32>
        tpu.vector_store %arg10[%swap3A_230, %swap3A_231], %swap3A_234 {strides = array<i32>} : memref<128x64xf32, #tpu.memory_space<vmem>>, vector<1x16xf32>,
        %get3A_235 = arith.index_cast %add3A_205 : i32 to index
        %get3A_236 = arith.constant 48 : index
        %get3A_237 = tpu.vector_load %arg8[%get3A_235, %get3A_236] {strides = array<i32>} : memref<128x64xf32, #tpu.memory_space<vmem>>, vector<1x16xf32>,
        %get3A_238 = vector.shape_cast %get3A_237 : vector<1x16xf32> to vector<16xf32>
        %add3A_239 = arith.addf %get3A_238, %get3A_61 : vector<16xf32>
        %swap3A_240 = arith.index_cast %add3A_205 : i32 to index
        %swap3A_241 = arith.constant 48 : index
        %swap3A_242 = tpu.vector_load %arg10[%swap3A_240, %swap3A_241] {strides = array<i32>} : memref<128x64xf32, #tpu.memory_space<vmem>>, vector<1x16xf32>,
        %swap3A_243 = vector.shape_cast %swap3A_242 : vector<1x16xf32> to vector<16xf32>
        %swap3A_244 = vector.shape_cast %add3A_239 : vector<16xf32> to vector<1x16xf32>
        tpu.vector_store %arg10[%swap3A_240, %swap3A_241], %swap3A_244 {strides = array<i32>} : memref<128x64xf32, #tpu.memory_space<vmem>>, vector<1x16xf32>,
        %mul3A_245 = arith.constant 4 : i32
        %mul3A_246 = arith.muli %scan3A_201, %mul3A_245 : i32
        %add3A_247 = arith.constant 1 : i32
        %add3A_248 = arith.addi %mul3A_246, %add3A_247 : i32
        %get3A_249 = arith.index_cast %add3A_248 : i32 to index
        %get3A_250 = arith.constant 0 : index
        %get3A_251 = tpu.vector_load %arg8[%get3A_249, %get3A_250] {strides = array<i32>} : memref<128x64xf32, #tpu.memory_space<vmem>>, vector<1x16xf32>,
        %get3A_252 = vector.shape_cast %get3A_251 : vector<1x16xf32> to vector<16xf32>
        %add3A_253 = arith.addf %get3A_252, %get3A_49 : vector<16xf32>
        %swap3A_254 = arith.index_cast %add3A_248 : i32 to index
        %swap3A_255 = arith.constant 0 : index
        %swap3A_256 = tpu.vector_load %arg10[%swap3A_254, %swap3A_255] {strides = array<i32>} : memref<128x64xf32, #tpu.memory_space<vmem>>, vector<1x16xf32>,
        %swap3A_257 = vector.shape_cast %swap3A_256 : vector<1x16xf32> to vector<16xf32>
        %swap3A_258 = vector.shape_cast %add3A_253 : vector<16xf32> to vector<1x16xf32>
        tpu.vector_store %arg10[%swap3A_254, %swap3A_255], %swap3A_258 {strides = array<i32>} : memref<128x64xf32, #tpu.memory_space<vmem>>, vector<1x16xf32>,
        %get3A_259 = arith.index_cast %add3A_248 : i32 to index
        %get3A_260 = arith.constant 16 : index
        %get3A_261 = tpu.vector_load %arg8[%get3A_259, %get3A_260] {strides = array<i32>} : memref<128x64xf32, #tpu.memory_space<vmem>>, vector<1x16xf32>,
        %get3A_262 = vector.shape_cast %get3A_261 : vector<1x16xf32> to vector<16xf32>
        %add3A_263 = arith.addf %get3A_262, %get3A_53 : vector<16xf32>
        %swap3A_264 = arith.index_cast %add3A_248 : i32 to index
        %swap3A_265 = arith.constant 16 : index
        %swap3A_266 = tpu.vector_load %arg10[%swap3A_264, %swap3A_265] {strides = array<i32>} : memref<128x64xf32, #tpu.memory_space<vmem>>, vector<1x16xf32>,
        %swap3A_267 = vector.shape_cast %swap3A_266 : vector<1x16xf32> to vector<16xf32>
        %swap3A_268 = vector.shape_cast %add3A_263 : vector<16xf32> to vector<1x16xf32>
        tpu.vector_store %arg10[%swap3A_264, %swap3A_265], %swap3A_268 {strides = array<i32>} : memref<128x64xf32, #tpu.memory_space<vmem>>, vector<1x16xf32>,
        %get3A_269 = arith.index_cast %add3A_248 : i32 to index
        %get3A_270 = arith.constant 32 : index
        %get3A_271 = tpu.vector_load %arg8[%get3A_269, %get3A_270] {strides = array<i32>} : memref<128x64xf32, #tpu.memory_space<vmem>>, vector<1x16xf32>,
        %get3A_272 = vector.shape_cast %get3A_271 : vector<1x16xf32> to vector<16xf32>
        %add3A_273 = arith.addf %get3A_272, %get3A_57 : vector<16xf32>
        %swap3A_274 = arith.index_cast %add3A_248 : i32 to index
        %swap3A_275 = arith.constant 32 : index
        %swap3A_276 = tpu.vector_load %arg10[%swap3A_274, %swap3A_275] {strides = array<i32>} : memref<128x64xf32, #tpu.memory_space<vmem>>, vector<1x16xf32>,
        %swap3A_277 = vector.shape_cast %swap3A_276 : vector<1x16xf32> to vector<16xf32>
        %swap3A_278 = vector.shape_cast %add3A_273 : vector<16xf32> to vector<1x16xf32>
        tpu.vector_store %arg10[%swap3A_274, %swap3A_275], %swap3A_278 {strides = array<i32>} : memref<128x64xf32, #tpu.memory_space<vmem>>, vector<1x16xf32>,
        %get3A_279 = arith.index_cast %add3A_248 : i32 to index
        %get3A_280 = arith.constant 48 : index
        %get3A_281 = tpu.vector_load %arg8[%get3A_279, %get3A_280] {strides = array<i32>} : memref<128x64xf32, #tpu.memory_space<vmem>>, vector<1x16xf32>,
        %get3A_282 = vector.shape_cast %get3A_281 : vector<1x16xf32> to vector<16xf32>
        %add3A_283 = arith.addf %get3A_282, %get3A_61 : vector<16xf32>
        %swap3A_284 = arith.index_cast %add3A_248 : i32 to index
        %swap3A_285 = arith.constant 48 : index
        %swap3A_286 = tpu.vector_load %arg10[%swap3A_284, %swap3A_285] {strides = array<i32>} : memref<128x64xf32, #tpu.memory_space<vmem>>, vector<1x16xf32>,
        %swap3A_287 = vector.shape_cast %swap3A_286 : vector<1x16xf32> to vector<16xf32>
        %swap3A_288 = vector.shape_cast %add3A_283 : vector<16xf32> to vector<1x16xf32>
        tpu.vector_store %arg10[%swap3A_284, %swap3A_285], %swap3A_288 {strides = array<i32>} : memref<128x64xf32, #tpu.memory_space<vmem>>, vector<1x16xf32>,
        %mul3A_289 = arith.constant 4 : i32
        %mul3A_290 = arith.muli %scan3A_201, %mul3A_289 : i32
        %add3A_291 = arith.constant 2 : i32
        %add3A_292 = arith.addi %mul3A_290, %add3A_291 : i32
        %get3A_293 = arith.index_cast %add3A_292 : i32 to index
        %get3A_294 = arith.constant 0 : index
        %get3A_295 = tpu.vector_load %arg8[%get3A_293, %get3A_294] {strides = array<i32>} : memref<128x64xf32, #tpu.memory_space<vmem>>, vector<1x16xf32>,
        %get3A_296 = vector.shape_cast %get3A_295 : vector<1x16xf32> to vector<16xf32>
        %add3A_297 = arith.addf %get3A_296, %get3A_49 : vector<16xf32>
        %swap3A_298 = arith.index_cast %add3A_292 : i32 to index
        %swap3A_299 = arith.constant 0 : index
        %swap3A_300 = tpu.vector_load %arg10[%swap3A_298, %swap3A_299] {strides = array<i32>} : memref<128x64xf32, #tpu.memory_space<vmem>>, vector<1x16xf32>,
        %swap3A_301 = vector.shape_cast %swap3A_300 : vector<1x16xf32> to vector<16xf32>
        %swap3A_302 = vector.shape_cast %add3A_297 : vector<16xf32> to vector<1x16xf32>
        tpu.vector_store %arg10[%swap3A_298, %swap3A_299], %swap3A_302 {strides = array<i32>} : memref<128x64xf32, #tpu.memory_space<vmem>>, vector<1x16xf32>,
        %get3A_303 = arith.index_cast %add3A_292 : i32 to index
        %get3A_304 = arith.constant 16 : index
        %get3A_305 = tpu.vector_load %arg8[%get3A_303, %get3A_304] {strides = array<i32>} : memref<128x64xf32, #tpu.memory_space<vmem>>, vector<1x16xf32>,
        %get3A_306 = vector.shape_cast %get3A_305 : vector<1x16xf32> to vector<16xf32>
        %add3A_307 = arith.addf %get3A_306, %get3A_53 : vector<16xf32>
        %swap3A_308 = arith.index_cast %add3A_292 : i32 to index
        %swap3A_309 = arith.constant 16 : index
        %swap3A_310 = tpu.vector_load %arg10[%swap3A_308, %swap3A_309] {strides = array<i32>} : memref<128x64xf32, #tpu.memory_space<vmem>>, vector<1x16xf32>,
        %swap3A_311 = vector.shape_cast %swap3A_310 : vector<1x16xf32> to vector<16xf32>
        %swap3A_312 = vector.shape_cast %add3A_307 : vector<16xf32> to vector<1x16xf32>
        tpu.vector_store %arg10[%swap3A_308, %swap3A_309], %swap3A_312 {strides = array<i32>} : memref<128x64xf32, #tpu.memory_space<vmem>>, vector<1x16xf32>,
        %get3A_313 = arith.index_cast %add3A_292 : i32 to index
        %get3A_314 = arith.constant 32 : index
        %get3A_315 = tpu.vector_load %arg8[%get3A_313, %get3A_314] {strides = array<i32>} : memref<128x64xf32, #tpu.memory_space<vmem>>, vector<1x16xf32>,
        %get3A_316 = vector.shape_cast %get3A_315 : vector<1x16xf32> to vector<16xf32>
        %add3A_317 = arith.addf %get3A_316, %get3A_57 : vector<16xf32>
        %swap3A_318 = arith.index_cast %add3A_292 : i32 to index
        %swap3A_319 = arith.constant 32 : index
        %swap3A_320 = tpu.vector_load %arg10[%swap3A_318, %swap3A_319] {strides = array<i32>} : memref<128x64xf32, #tpu.memory_space<vmem>>, vector<1x16xf32>,
        %swap3A_321 = vector.shape_cast %swap3A_320 : vector<1x16xf32> to vector<16xf32>
        %swap3A_322 = vector.shape_cast %add3A_317 : vector<16xf32> to vector<1x16xf32>
        tpu.vector_store %arg10[%swap3A_318, %swap3A_319], %swap3A_322 {strides = array<i32>} : memref<128x64xf32, #tpu.memory_space<vmem>>, vector<1x16xf32>,
        %get3A_323 = arith.index_cast %add3A_292 : i32 to index
        %get3A_324 = arith.constant 48 : index
        %get3A_325 = tpu.vector_load %arg8[%get3A_323, %get3A_324] {strides = array<i32>} : memref<128x64xf32, #tpu.memory_space<vmem>>, vector<1x16xf32>,
        %get3A_326 = vector.shape_cast %get3A_325 : vector<1x16xf32> to vector<16xf32>
        %add3A_327 = arith.addf %get3A_326, %get3A_61 : vector<16xf32>
        %swap3A_328 = arith.index_cast %add3A_292 : i32 to index
        %swap3A_329 = arith.constant 48 : index
        %swap3A_330 = tpu.vector_load %arg10[%swap3A_328, %swap3A_329] {strides = array<i32>} : memref<128x64xf32, #tpu.memory_space<vmem>>, vector<1x16xf32>,
        %swap3A_331 = vector.shape_cast %swap3A_330 : vector<1x16xf32> to vector<16xf32>
        %swap3A_332 = vector.shape_cast %add3A_327 : vector<16xf32> to vector<1x16xf32>
        tpu.vector_store %arg10[%swap3A_328, %swap3A_329], %swap3A_332 {strides = array<i32>} : memref<128x64xf32, #tpu.memory_space<vmem>>, vector<1x16xf32>,
        %mul3A_333 = arith.constant 4 : i32
        %mul3A_334 = arith.muli %scan3A_201, %mul3A_333 : i32
        %add3A_335 = arith.constant 3 : i32
        %add3A_336 = arith.addi %mul3A_334, %add3A_335 : i32
        %get3A_337 = arith.index_cast %add3A_336 : i32 to index
        %get3A_338 = arith.constant 0 : index
        %get3A_339 = tpu.vector_load %arg8[%get3A_337, %get3A_338] {strides = array<i32>} : memref<128x64xf32, #tpu.memory_space<vmem>>, vector<1x16xf32>,
        %get3A_340 = vector.shape_cast %get3A_339 : vector<1x16xf32> to vector<16xf32>
        %add3A_341 = arith.addf %get3A_340, %get3A_49 : vector<16xf32>
        %swap3A_342 = arith.index_cast %add3A_336 : i32 to index
        %swap3A_343 = arith.constant 0 : index
        %swap3A_344 = tpu.vector_load %arg10[%swap3A_342, %swap3A_343] {strides = array<i32>} : memref<128x64xf32, #tpu.memory_space<vmem>>, vector<1x16xf32>,
        %swap3A_345 = vector.shape_cast %swap3A_344 : vector<1x16xf32> to vector<16xf32>
        %swap3A_346 = vector.shape_cast %add3A_341 : vector<16xf32> to vector<1x16xf32>
        tpu.vector_store %arg10[%swap3A_342, %swap3A_343], %swap3A_346 {strides = array<i32>} : memref<128x64xf32, #tpu.memory_space<vmem>>, vector<1x16xf32>,
        %get3A_347 = arith.index_cast %add3A_336 : i32 to index
        %get3A_348 = arith.constant 16 : index
        %get3A_349 = tpu.vector_load %arg8[%get3A_347, %get3A_348] {strides = array<i32>} : memref<128x64xf32, #tpu.memory_space<vmem>>, vector<1x16xf32>,
        %get3A_350 = vector.shape_cast %get3A_349 : vector<1x16xf32> to vector<16xf32>
        %add3A_351 = arith.addf %get3A_350, %get3A_53 : vector<16xf32>
        %swap3A_352 = arith.index_cast %add3A_336 : i32 to index
        %swap3A_353 = arith.constant 16 : index
        %swap3A_354 = tpu.vector_load %arg10[%swap3A_352, %swap3A_353] {strides = array<i32>} : memref<128x64xf32, #tpu.memory_space<vmem>>, vector<1x16xf32>,
        %swap3A_355 = vector.shape_cast %swap3A_354 : vector<1x16xf32> to vector<16xf32>
        %swap3A_356 = vector.shape_cast %add3A_351 : vector<16xf32> to vector<1x16xf32>
        tpu.vector_store %arg10[%swap3A_352, %swap3A_353], %swap3A_356 {strides = array<i32>} : memref<128x64xf32, #tpu.memory_space<vmem>>, vector<1x16xf32>,
        %get3A_357 = arith.index_cast %add3A_336 : i32 to index
        %get3A_358 = arith.constant 32 : index
        %get3A_359 = tpu.vector_load %arg8[%get3A_357, %get3A_358] {strides = array<i32>} : memref<128x64xf32, #tpu.memory_space<vmem>>, vector<1x16xf32>,
        %get3A_360 = vector.shape_cast %get3A_359 : vector<1x16xf32> to vector<16xf32>
        %add3A_361 = arith.addf %get3A_360, %get3A_57 : vector<16xf32>
        %swap3A_362 = arith.index_cast %add3A_336 : i32 to index
        %swap3A_363 = arith.constant 32 : index
        %swap3A_364 = tpu.vector_load %arg10[%swap3A_362, %swap3A_363] {strides = array<i32>} : memref<128x64xf32, #tpu.memory_space<vmem>>, vector<1x16xf32>,
        %swap3A_365 = vector.shape_cast %swap3A_364 : vector<1x16xf32> to vector<16xf32>
        %swap3A_366 = vector.shape_cast %add3A_361 : vector<16xf32> to vector<1x16xf32>
        tpu.vector_store %arg10[%swap3A_362, %swap3A_363], %swap3A_366 {strides = array<i32>} : memref<128x64xf32, #tpu.memory_space<vmem>>, vector<1x16xf32>,
        %get3A_367 = arith.index_cast %add3A_336 : i32 to index
        %get3A_368 = arith.constant 48 : index
        %get3A_369 = tpu.vector_load %arg8[%get3A_367, %get3A_368] {strides = array<i32>} : memref<128x64xf32, #tpu.memory_space<vmem>>, vector<1x16xf32>,
        %get3A_370 = vector.shape_cast %get3A_369 : vector<1x16xf32> to vector<16xf32>
        %add3A_371 = arith.addf %get3A_370, %get3A_61 : vector<16xf32>
        %swap3A_372 = arith.index_cast %add3A_336 : i32 to index
        %swap3A_373 = arith.constant 48 : index
        %swap3A_374 = tpu.vector_load %arg10[%swap3A_372, %swap3A_373] {strides = array<i32>} : memref<128x64xf32, #tpu.memory_space<vmem>>, vector<1x16xf32>,
        %swap3A_375 = vector.shape_cast %swap3A_374 : vector<1x16xf32> to vector<16xf32>
        %swap3A_376 = vector.shape_cast %add3A_371 : vector<16xf32> to vector<1x16xf32>
        tpu.vector_store %arg10[%swap3A_372, %swap3A_373], %swap3A_376 {strides = array<i32>} : memref<128x64xf32, #tpu.memory_space<vmem>>, vector<1x16xf32>,
      }
      %scan3A_67 = arith.constant 32 : i32
      %add3A_68 = arith.constant 2 : i32
      %add3A_69 = arith.addi %add3A_38, %add3A_68 : i32
      %lt3A = arith.constant 200 : i32
      %lt3A_70 = arith.cmpi slt, %add3A_69, %lt3A : i32
      %convert_element_type3A_71 = arith.extui %lt3A_70 : i1 to i32
      %cond3A_72 = arith.constant 0 : i32
      %cond3A_73 = arith.cmpi ne, %convert_element_type3A_71, %cond3A_72 : i32
      scf.if %cond3A_73 {
        %add3A_201 = arith.constant 2 : i32
        %add3A_202 = arith.addi %add3A_38, %add3A_201 : i32
        %dma_start3A_203 = arith.constant 0 : i32
        %dma_start3A_204 = tpu.memref_slice %arg6[%add3A_202, %dma_start3A_203] : memref<200x128xi32, #tpu.memory_space<vmem>> -> memref<1x128xi32, #tpu.memory_space<vmem>>
        %dma_start3A_205 = tpu.memref_squeeze %dma_start3A_204 : memref<1x128xi32, #tpu.memory_space<vmem>> -> memref<128xi32, #tpu.memory_space<vmem>>
        %dma_start3A_206 = arith.constant 0 : i32
        %dma_start3A_207 = arith.constant 0 : i32
        %dma_start3A_208 = tpu.memref_slice %arg4[%dma_start3A_206, %dma_start3A_207] : memref<1000000x64xf32, #tpu.memory_space<hbm>> -> memref<1000000x64xf32, #tpu.memory_space<hbm>>
        tpu.enqueue_indirect_dma source(%dma_start3A_208 : memref<1000000x64xf32, #tpu.memory_space<hbm>>) target(%arg8 : memref<128x64xf32, #tpu.memory_space<vmem>>) offsets(%dma_start3A_205 : memref<128xi32, #tpu.memory_space<vmem>>) semaphore(%arg12 : memref<!tpu.dma_semaphore, #tpu.memory_space<semaphore_mem>>)
      } else {
      }
      %jit3A = arith.constant 2 : i32
      %div3A = arith.divsi %add3A_38, %jit3A : i32
      %sign3A = arith.constant 0 : i32
      %sign3A_74 = arith.cmpi sgt, %add3A_38, %sign3A : i32
      %sign3A_75 = arith.extui %sign3A_74 : i1 to i32
      %sign3A_76 = arith.constant 0 : i32
      %sign3A_77 = arith.cmpi slt, %add3A_38, %sign3A_76 : i32
      %sign3A_78 = arith.extui %sign3A_77 : i1 to i32
      %sign3A_79 = arith.subi %sign3A_75, %sign3A_78 : i32
      %sign3A_80 = arith.constant 0 : i32
      %sign3A_81 = arith.cmpi sgt, %jit3A, %sign3A_80 : i32
      %sign3A_82 = arith.extui %sign3A_81 : i1 to i32
      %sign3A_83 = arith.constant 0 : i32
      %sign3A_84 = arith.cmpi slt, %jit3A, %sign3A_83 : i32
      %sign3A_85 = arith.extui %sign3A_84 : i1 to i32
      %sign3A_86 = arith.subi %sign3A_82, %sign3A_85 : i32
      %ne3A = arith.cmpi ne, %sign3A_79, %sign3A_86 : i32
      %rem3A = arith.remsi %add3A_38, %jit3A : i32
      %ne3A_87 = arith.constant 0 : i32
      %ne3A_88 = arith.cmpi ne, %rem3A, %ne3A_87 : i32
      %and3A = arith.andi %ne3A, %ne3A_88 : i1
      %sub3A = arith.constant 1 : i32
      %sub3A_89 = arith.subi %div3A, %sub3A : i32
      %select_n3A = arith.select %and3A, %sub3A_89, %div3A : i32
      %jit3A_90 = arith.constant 2 : i32
      %eq3A = arith.constant 0 : i32
      %eq3A_91 = arith.cmpi eq, %jit3A_90, %eq3A : i32
      %jit3A_92 = arith.constant 1 : i32
      %select_n3A_93 = arith.select %eq3A_91, %jit3A_92, %jit3A_90 : i32
      %rem3A_94 = arith.remsi %add3A_38, %select_n3A_93 : i32
      %ne3A_95 = arith.constant 0 : i32
      %ne3A_96 = arith.cmpi ne, %rem3A_94, %ne3A_95 : i32
      %lt3A_97 = arith.constant 0 : i32
      %lt3A_98 = arith.cmpi slt, %rem3A_94, %lt3A_97 : i32
      %lt3A_99 = arith.constant 0 : i32
      %lt3A_100 = arith.cmpi slt, %select_n3A_93, %lt3A_99 : i32
      %ne3A_101 = arith.xori %lt3A_98, %lt3A_100 : i1
      %and3A_102 = arith.andi %ne3A_101, %ne3A_96 : i1
      %add3A_103 = arith.addi %rem3A_94, %select_n3A_93 : i32
      %select_n3A_104 = arith.select %and3A_102, %add3A_103, %rem3A_94 : i32
      %mul3A_105 = arith.constant 64 : i32
      %mul3A_106 = arith.muli %mul3A_105, %select_n3A_104 : i32
      %dma_start3A_107 = tpu.memref_slice %arg5[%select_n3A, %mul3A_2, %mul3A_106] : memref<100x4096x128xf32, #tpu.memory_space<hbm>> -> memref<1x128x64xf32, #tpu.memory_space<hbm>>
      %dma_start3A_108 = tpu.memref_squeeze %dma_start3A_107 : memref<1x128x64xf32, #tpu.memory_space<hbm>> -> memref<128x64xf32, #tpu.memory_space<hbm>>
      %dma_start3A_109 = tpu.memref_slice %arg5[%select_n3A, %mul3A_2, %mul3A_106] : memref<100x4096x128xf32, #tpu.memory_space<hbm>> -> memref<1x128x64xf32, #tpu.memory_space<hbm>>
      %dma_start3A_110 = tpu.memref_squeeze %dma_start3A_109 : memref<1x128x64xf32, #tpu.memory_space<hbm>> -> memref<128x64xf32, #tpu.memory_space<hbm>>
      tpu.enqueue_dma source(%arg10 : memref<128x64xf32, #tpu.memory_space<vmem>>) target(%dma_start3A_110 : memref<128x64xf32, #tpu.memory_space<hbm>>) target_semaphore(%arg14 : memref<!tpu.dma_semaphore, #tpu.memory_space<semaphore_mem>>)
      %mul3A_111 = arith.constant 2 : i32
      %mul3A_112 = arith.muli %mul3A_111, %scan3A_34 : i32
      %add3A_113 = arith.constant 1 : i32
      %add3A_114 = arith.addi %mul3A_112, %add3A_113 : i32
      %dma_wait3A_115 = arith.constant 0 : i32
      %dma_wait3A_116 = tpu.memref_slice %arg6[%add3A_114, %dma_wait3A_115] : memref<200x128xi32, #tpu.memory_space<vmem>> -> memref<1x128xi32, #tpu.memory_space<vmem>>
      %dma_wait3A_117 = tpu.memref_squeeze %dma_wait3A_116 : memref<1x128xi32, #tpu.memory_space<vmem>> -> memref<128xi32, #tpu.memory_space<vmem>>
      %dma_wait3A_118 = arith.constant 0 : i32
      %dma_wait3A_119 = arith.constant 0 : i32
      %dma_wait3A_120 = tpu.memref_slice %arg4[%dma_wait3A_118, %dma_wait3A_119] : memref<1000000x64xf32, #tpu.memory_space<hbm>> -> memref<1000000x64xf32, #tpu.memory_space<hbm>>
      tpu.wait_indirect_dma semaphore(%arg13 : memref<!tpu.dma_semaphore, #tpu.memory_space<semaphore_mem>>) src(%dma_wait3A_120 : memref<1000000x64xf32, #tpu.memory_space<hbm>>) dst(%arg9 : memref<128x64xf32, #tpu.memory_space<vmem>>)
      %ge3A_121 = arith.constant 1 : i32
      %ge3A_122 = arith.cmpi sge, %scan3A_34, %ge3A_121 : i32
      %convert_element_type3A_123 = arith.extui %ge3A_122 : i1 to i32
      %cond3A_124 = arith.constant 0 : i32
      %cond3A_125 = arith.cmpi ne, %convert_element_type3A_123, %cond3A_124 : i32
      scf.if %cond3A_125 {
        %sub3A_201 = arith.constant 2 : i32
        %sub3A_202 = arith.subi %add3A_114, %sub3A_201 : i32
        %jit3A_203 = arith.constant 2 : i32
        %div3A_204 = arith.divsi %sub3A_202, %jit3A_203 : i32
        %sign3A_205 = arith.constant 0 : i32
        %sign3A_206 = arith.cmpi sgt, %sub3A_202, %sign3A_205 : i32
        %sign3A_207 = arith.extui %sign3A_206 : i1 to i32
        %sign3A_208 = arith.constant 0 : i32
        %sign3A_209 = arith.cmpi slt, %sub3A_202, %sign3A_208 : i32
        %sign3A_210 = arith.extui %sign3A_209 : i1 to i32
        %sign3A_211 = arith.subi %sign3A_207, %sign3A_210 : i32
        %sign3A_212 = arith.constant 0 : i32
        %sign3A_213 = arith.cmpi sgt, %jit3A_203, %sign3A_212 : i32
        %sign3A_214 = arith.extui %sign3A_213 : i1 to i32
        %sign3A_215 = arith.constant 0 : i32
        %sign3A_216 = arith.cmpi slt, %jit3A_203, %sign3A_215 : i32
        %sign3A_217 = arith.extui %sign3A_216 : i1 to i32
        %sign3A_218 = arith.subi %sign3A_214, %sign3A_217 : i32
        %ne3A_219 = arith.cmpi ne, %sign3A_211, %sign3A_218 : i32
        %rem3A_220 = arith.remsi %sub3A_202, %jit3A_203 : i32
        %ne3A_221 = arith.constant 0 : i32
        %ne3A_222 = arith.cmpi ne, %rem3A_220, %ne3A_221 : i32
        %and3A_223 = arith.andi %ne3A_219, %ne3A_222 : i1
        %sub3A_224 = arith.constant 1 : i32
        %sub3A_225 = arith.subi %div3A_204, %sub3A_224 : i32
        %select_n3A_226 = arith.select %and3A_223, %sub3A_225, %div3A_204 : i32
        %jit3A_227 = arith.constant 2 : i32
        %eq3A_228 = arith.constant 0 : i32
        %eq3A_229 = arith.cmpi eq, %jit3A_227, %eq3A_228 : i32
        %jit3A_230 = arith.constant 1 : i32
        %select_n3A_231 = arith.select %eq3A_229, %jit3A_230, %jit3A_227 : i32
        %rem3A_232 = arith.remsi %sub3A_202, %select_n3A_231 : i32
        %ne3A_233 = arith.constant 0 : i32
        %ne3A_234 = arith.cmpi ne, %rem3A_232, %ne3A_233 : i32
        %lt3A_235 = arith.constant 0 : i32
        %lt3A_236 = arith.cmpi slt, %rem3A_232, %lt3A_235 : i32
        %lt3A_237 = arith.constant 0 : i32
        %lt3A_238 = arith.cmpi slt, %select_n3A_231, %lt3A_237 : i32
        %ne3A_239 = arith.xori %lt3A_236, %lt3A_238 : i1
        %and3A_240 = arith.andi %ne3A_239, %ne3A_234 : i1
        %add3A_241 = arith.addi %rem3A_232, %select_n3A_231 : i32
        %select_n3A_242 = arith.select %and3A_240, %add3A_241, %rem3A_232 : i32
        %mul3A_243 = arith.constant 64 : i32
        %mul3A_244 = arith.muli %mul3A_243, %select_n3A_242 : i32
        %dma_wait3A_245 = tpu.memref_slice %arg5[%select_n3A_226, %mul3A_2, %mul3A_244] : memref<100x4096x128xf32, #tpu.memory_space<hbm>> -> memref<1x128x64xf32, #tpu.memory_space<hbm>>
        %dma_wait3A_246 = tpu.memref_squeeze %dma_wait3A_245 : memref<1x128x64xf32, #tpu.memory_space<hbm>> -> memref<128x64xf32, #tpu.memory_space<hbm>>
        %dma_wait3A_247 = tpu.memref_slice %arg5[%select_n3A_226, %mul3A_2, %mul3A_244] : memref<100x4096x128xf32, #tpu.memory_space<hbm>> -> memref<1x128x64xf32, #tpu.memory_space<hbm>>
        %dma_wait3A_248 = tpu.memref_squeeze %dma_wait3A_247 : memref<1x128x64xf32, #tpu.memory_space<hbm>> -> memref<128x64xf32, #tpu.memory_space<hbm>>
        tpu.wait_dma2 semaphore(%arg15 : memref<!tpu.dma_semaphore, #tpu.memory_space<semaphore_mem>>) src(%arg11 : memref<128x64xf32, #tpu.memory_space<vmem>>) dst(%dma_wait3A_248 : memref<128x64xf32, #tpu.memory_space<hbm>>)
      } else {
      }
      %get3A_126 = arith.index_cast %add3A_114 : i32 to index
      %get3A_127 = arith.constant 0 : index
      %get3A_128 = tpu.vector_load %arg7[%get3A_126, %get3A_127] {strides = array<i32>} : memref<200x64xf32, #tpu.memory_space<vmem>>, vector<1x16xf32>,
      %get3A_129 = vector.shape_cast %get3A_128 : vector<1x16xf32> to vector<16xf32>
      %get3A_130 = arith.index_cast %add3A_114 : i32 to index
      %get3A_131 = arith.constant 16 : index
      %get3A_132 = tpu.vector_load %arg7[%get3A_130, %get3A_131] {strides = array<i32>} : memref<200x64xf32, #tpu.memory_space<vmem>>, vector<1x16xf32>,
      %get3A_133 = vector.shape_cast %get3A_132 : vector<1x16xf32> to vector<16xf32>
      %get3A_134 = arith.index_cast %add3A_114 : i32 to index
      %get3A_135 = arith.constant 32 : index
      %get3A_136 = tpu.vector_load %arg7[%get3A_134, %get3A_135] {strides = array<i32>} : memref<200x64xf32, #tpu.memory_space<vmem>>, vector<1x16xf32>,
      %get3A_137 = vector.shape_cast %get3A_136 : vector<1x16xf32> to vector<16xf32>
      %get3A_138 = arith.index_cast %add3A_114 : i32 to index
      %get3A_139 = arith.constant 48 : index
      %get3A_140 = tpu.vector_load %arg7[%get3A_138, %get3A_139] {strides = array<i32>} : memref<200x64xf32, #tpu.memory_space<vmem>>, vector<1x16xf32>,
      %get3A_141 = vector.shape_cast %get3A_140 : vector<1x16xf32> to vector<16xf32>
      %scan3A_142 = arith.constant 0 : i32
      %scan3A_143 = arith.constant 0 : i32
      %scan3A_144 = arith.constant 32 : i32
      %scan3A_145 = arith.addi %scan3A_143, %scan3A_144 : i32
      %scan3A_146 = arith.constant 1 : i32
      scf.for %scan3A_201 = %scan3A_143 to %scan3A_145 step %scan3A_146  : i32 {
        %mul3A_202 = arith.constant 4 : i32
        %mul3A_203 = arith.muli %scan3A_201, %mul3A_202 : i32
        %add3A_204 = arith.constant 0 : i32
        %add3A_205 = arith.addi %mul3A_203, %add3A_204 : i32
        %get3A_206 = arith.index_cast %add3A_205 : i32 to index
        %get3A_207 = arith.constant 0 : index
        %get3A_208 = tpu.vector_load %arg9[%get3A_206, %get3A_207] {strides = array<i32>} : memref<128x64xf32, #tpu.memory_space<vmem>>, vector<1x16xf32>,
        %get3A_209 = vector.shape_cast %get3A_208 : vector<1x16xf32> to vector<16xf32>
        %add3A_210 = arith.addf %get3A_209, %get3A_129 : vector<16xf32>
        %swap3A = arith.index_cast %add3A_205 : i32 to index
        %swap3A_211 = arith.constant 0 : index
        %swap3A_212 = tpu.vector_load %arg11[%swap3A, %swap3A_211] {strides = array<i32>} : memref<128x64xf32, #tpu.memory_space<vmem>>, vector<1x16xf32>,
        %swap3A_213 = vector.shape_cast %swap3A_212 : vector<1x16xf32> to vector<16xf32>
        %swap3A_214 = vector.shape_cast %add3A_210 : vector<16xf32> to vector<1x16xf32>
        tpu.vector_store %arg11[%swap3A, %swap3A_211], %swap3A_214 {strides = array<i32>} : memref<128x64xf32, #tpu.memory_space<vmem>>, vector<1x16xf32>,
        %get3A_215 = arith.index_cast %add3A_205 : i32 to index
        %get3A_216 = arith.constant 16 : index
        %get3A_217 = tpu.vector_load %arg9[%get3A_215, %get3A_216] {strides = array<i32>} : memref<128x64xf32, #tpu.memory_space<vmem>>, vector<1x16xf32>,
        %get3A_218 = vector.shape_cast %get3A_217 : vector<1x16xf32> to vector<16xf32>
        %add3A_219 = arith.addf %get3A_218, %get3A_133 : vector<16xf32>
        %swap3A_220 = arith.index_cast %add3A_205 : i32 to index
        %swap3A_221 = arith.constant 16 : index
        %swap3A_222 = tpu.vector_load %arg11[%swap3A_220, %swap3A_221] {strides = array<i32>} : memref<128x64xf32, #tpu.memory_space<vmem>>, vector<1x16xf32>,
        %swap3A_223 = vector.shape_cast %swap3A_222 : vector<1x16xf32> to vector<16xf32>
        %swap3A_224 = vector.shape_cast %add3A_219 : vector<16xf32> to vector<1x16xf32>
        tpu.vector_store %arg11[%swap3A_220, %swap3A_221], %swap3A_224 {strides = array<i32>} : memref<128x64xf32, #tpu.memory_space<vmem>>, vector<1x16xf32>,
        %get3A_225 = arith.index_cast %add3A_205 : i32 to index
        %get3A_226 = arith.constant 32 : index
        %get3A_227 = tpu.vector_load %arg9[%get3A_225, %get3A_226] {strides = array<i32>} : memref<128x64xf32, #tpu.memory_space<vmem>>, vector<1x16xf32>,
        %get3A_228 = vector.shape_cast %get3A_227 : vector<1x16xf32> to vector<16xf32>
        %add3A_229 = arith.addf %get3A_228, %get3A_137 : vector<16xf32>
        %swap3A_230 = arith.index_cast %add3A_205 : i32 to index
        %swap3A_231 = arith.constant 32 : index
        %swap3A_232 = tpu.vector_load %arg11[%swap3A_230, %swap3A_231] {strides = array<i32>} : memref<128x64xf32, #tpu.memory_space<vmem>>, vector<1x16xf32>,
        %swap3A_233 = vector.shape_cast %swap3A_232 : vector<1x16xf32> to vector<16xf32>
        %swap3A_234 = vector.shape_cast %add3A_229 : vector<16xf32> to vector<1x16xf32>
        tpu.vector_store %arg11[%swap3A_230, %swap3A_231], %swap3A_234 {strides = array<i32>} : memref<128x64xf32, #tpu.memory_space<vmem>>, vector<1x16xf32>,
        %get3A_235 = arith.index_cast %add3A_205 : i32 to index
        %get3A_236 = arith.constant 48 : index
        %get3A_237 = tpu.vector_load %arg9[%get3A_235, %get3A_236] {strides = array<i32>} : memref<128x64xf32, #tpu.memory_space<vmem>>, vector<1x16xf32>,
        %get3A_238 = vector.shape_cast %get3A_237 : vector<1x16xf32> to vector<16xf32>
        %add3A_239 = arith.addf %get3A_238, %get3A_141 : vector<16xf32>
        %swap3A_240 = arith.index_cast %add3A_205 : i32 to index
        %swap3A_241 = arith.constant 48 : index
        %swap3A_242 = tpu.vector_load %arg11[%swap3A_240, %swap3A_241] {strides = array<i32>} : memref<128x64xf32, #tpu.memory_space<vmem>>, vector<1x16xf32>,
        %swap3A_243 = vector.shape_cast %swap3A_242 : vector<1x16xf32> to vector<16xf32>
        %swap3A_244 = vector.shape_cast %add3A_239 : vector<16xf32> to vector<1x16xf32>
        tpu.vector_store %arg11[%swap3A_240, %swap3A_241], %swap3A_244 {strides = array<i32>} : memref<128x64xf32, #tpu.memory_space<vmem>>, vector<1x16xf32>,
        %mul3A_245 = arith.constant 4 : i32
        %mul3A_246 = arith.muli %scan3A_201, %mul3A_245 : i32
        %add3A_247 = arith.constant 1 : i32
        %add3A_248 = arith.addi %mul3A_246, %add3A_247 : i32
        %get3A_249 = arith.index_cast %add3A_248 : i32 to index
        %get3A_250 = arith.constant 0 : index
        %get3A_251 = tpu.vector_load %arg9[%get3A_249, %get3A_250] {strides = array<i32>} : memref<128x64xf32, #tpu.memory_space<vmem>>, vector<1x16xf32>,
        %get3A_252 = vector.shape_cast %get3A_251 : vector<1x16xf32> to vector<16xf32>
        %add3A_253 = arith.addf %get3A_252, %get3A_129 : vector<16xf32>
        %swap3A_254 = arith.index_cast %add3A_248 : i32 to index
        %swap3A_255 = arith.constant 0 : index
        %swap3A_256 = tpu.vector_load %arg11[%swap3A_254, %swap3A_255] {strides = array<i32>} : memref<128x64xf32, #tpu.memory_space<vmem>>, vector<1x16xf32>,
        %swap3A_257 = vector.shape_cast %swap3A_256 : vector<1x16xf32> to vector<16xf32>
        %swap3A_258 = vector.shape_cast %add3A_253 : vector<16xf32> to vector<1x16xf32>
        tpu.vector_store %arg11[%swap3A_254, %swap3A_255], %swap3A_258 {strides = array<i32>} : memref<128x64xf32, #tpu.memory_space<vmem>>, vector<1x16xf32>,
        %get3A_259 = arith.index_cast %add3A_248 : i32 to index
        %get3A_260 = arith.constant 16 : index
        %get3A_261 = tpu.vector_load %arg9[%get3A_259, %get3A_260] {strides = array<i32>} : memref<128x64xf32, #tpu.memory_space<vmem>>, vector<1x16xf32>,
        %get3A_262 = vector.shape_cast %get3A_261 : vector<1x16xf32> to vector<16xf32>
        %add3A_263 = arith.addf %get3A_262, %get3A_133 : vector<16xf32>
        %swap3A_264 = arith.index_cast %add3A_248 : i32 to index
        %swap3A_265 = arith.constant 16 : index
        %swap3A_266 = tpu.vector_load %arg11[%swap3A_264, %swap3A_265] {strides = array<i32>} : memref<128x64xf32, #tpu.memory_space<vmem>>, vector<1x16xf32>,
        %swap3A_267 = vector.shape_cast %swap3A_266 : vector<1x16xf32> to vector<16xf32>
        %swap3A_268 = vector.shape_cast %add3A_263 : vector<16xf32> to vector<1x16xf32>
        tpu.vector_store %arg11[%swap3A_264, %swap3A_265], %swap3A_268 {strides = array<i32>} : memref<128x64xf32, #tpu.memory_space<vmem>>, vector<1x16xf32>,
        %get3A_269 = arith.index_cast %add3A_248 : i32 to index
        %get3A_270 = arith.constant 32 : index
        %get3A_271 = tpu.vector_load %arg9[%get3A_269, %get3A_270] {strides = array<i32>} : memref<128x64xf32, #tpu.memory_space<vmem>>, vector<1x16xf32>,
        %get3A_272 = vector.shape_cast %get3A_271 : vector<1x16xf32> to vector<16xf32>
        %add3A_273 = arith.addf %get3A_272, %get3A_137 : vector<16xf32>
        %swap3A_274 = arith.index_cast %add3A_248 : i32 to index
        %swap3A_275 = arith.constant 32 : index
        %swap3A_276 = tpu.vector_load %arg11[%swap3A_274, %swap3A_275] {strides = array<i32>} : memref<128x64xf32, #tpu.memory_space<vmem>>, vector<1x16xf32>,
        %swap3A_277 = vector.shape_cast %swap3A_276 : vector<1x16xf32> to vector<16xf32>
        %swap3A_278 = vector.shape_cast %add3A_273 : vector<16xf32> to vector<1x16xf32>
        tpu.vector_store %arg11[%swap3A_274, %swap3A_275], %swap3A_278 {strides = array<i32>} : memref<128x64xf32, #tpu.memory_space<vmem>>, vector<1x16xf32>,
        %get3A_279 = arith.index_cast %add3A_248 : i32 to index
        %get3A_280 = arith.constant 48 : index
        %get3A_281 = tpu.vector_load %arg9[%get3A_279, %get3A_280] {strides = array<i32>} : memref<128x64xf32, #tpu.memory_space<vmem>>, vector<1x16xf32>,
        %get3A_282 = vector.shape_cast %get3A_281 : vector<1x16xf32> to vector<16xf32>
        %add3A_283 = arith.addf %get3A_282, %get3A_141 : vector<16xf32>
        %swap3A_284 = arith.index_cast %add3A_248 : i32 to index
        %swap3A_285 = arith.constant 48 : index
        %swap3A_286 = tpu.vector_load %arg11[%swap3A_284, %swap3A_285] {strides = array<i32>} : memref<128x64xf32, #tpu.memory_space<vmem>>, vector<1x16xf32>,
        %swap3A_287 = vector.shape_cast %swap3A_286 : vector<1x16xf32> to vector<16xf32>
        %swap3A_288 = vector.shape_cast %add3A_283 : vector<16xf32> to vector<1x16xf32>
        tpu.vector_store %arg11[%swap3A_284, %swap3A_285], %swap3A_288 {strides = array<i32>} : memref<128x64xf32, #tpu.memory_space<vmem>>, vector<1x16xf32>,
        %mul3A_289 = arith.constant 4 : i32
        %mul3A_290 = arith.muli %scan3A_201, %mul3A_289 : i32
        %add3A_291 = arith.constant 2 : i32
        %add3A_292 = arith.addi %mul3A_290, %add3A_291 : i32
        %get3A_293 = arith.index_cast %add3A_292 : i32 to index
        %get3A_294 = arith.constant 0 : index
        %get3A_295 = tpu.vector_load %arg9[%get3A_293, %get3A_294] {strides = array<i32>} : memref<128x64xf32, #tpu.memory_space<vmem>>, vector<1x16xf32>,
        %get3A_296 = vector.shape_cast %get3A_295 : vector<1x16xf32> to vector<16xf32>
        %add3A_297 = arith.addf %get3A_296, %get3A_129 : vector<16xf32>
        %swap3A_298 = arith.index_cast %add3A_292 : i32 to index
        %swap3A_299 = arith.constant 0 : index
        %swap3A_300 = tpu.vector_load %arg11[%swap3A_298, %swap3A_299] {strides = array<i32>} : memref<128x64xf32, #tpu.memory_space<vmem>>, vector<1x16xf32>,
        %swap3A_301 = vector.shape_cast %swap3A_300 : vector<1x16xf32> to vector<16xf32>
        %swap3A_302 = vector.shape_cast %add3A_297 : vector<16xf32> to vector<1x16xf32>
        tpu.vector_store %arg11[%swap3A_298, %swap3A_299], %swap3A_302 {strides = array<i32>} : memref<128x64xf32, #tpu.memory_space<vmem>>, vector<1x16xf32>,
        %get3A_303 = arith.index_cast %add3A_292 : i32 to index
        %get3A_304 = arith.constant 16 : index
        %get3A_305 = tpu.vector_load %arg9[%get3A_303, %get3A_304] {strides = array<i32>} : memref<128x64xf32, #tpu.memory_space<vmem>>, vector<1x16xf32>,
        %get3A_306 = vector.shape_cast %get3A_305 : vector<1x16xf32> to vector<16xf32>
        %add3A_307 = arith.addf %get3A_306, %get3A_133 : vector<16xf32>
        %swap3A_308 = arith.index_cast %add3A_292 : i32 to index
        %swap3A_309 = arith.constant 16 : index
        %swap3A_310 = tpu.vector_load %arg11[%swap3A_308, %swap3A_309] {strides = array<i32>} : memref<128x64xf32, #tpu.memory_space<vmem>>, vector<1x16xf32>,
        %swap3A_311 = vector.shape_cast %swap3A_310 : vector<1x16xf32> to vector<16xf32>
        %swap3A_312 = vector.shape_cast %add3A_307 : vector<16xf32> to vector<1x16xf32>
        tpu.vector_store %arg11[%swap3A_308, %swap3A_309], %swap3A_312 {strides = array<i32>} : memref<128x64xf32, #tpu.memory_space<vmem>>, vector<1x16xf32>,
        %get3A_313 = arith.index_cast %add3A_292 : i32 to index
        %get3A_314 = arith.constant 32 : index
        %get3A_315 = tpu.vector_load %arg9[%get3A_313, %get3A_314] {strides = array<i32>} : memref<128x64xf32, #tpu.memory_space<vmem>>, vector<1x16xf32>,
        %get3A_316 = vector.shape_cast %get3A_315 : vector<1x16xf32> to vector<16xf32>
        %add3A_317 = arith.addf %get3A_316, %get3A_137 : vector<16xf32>
        %swap3A_318 = arith.index_cast %add3A_292 : i32 to index
        %swap3A_319 = arith.constant 32 : index
        %swap3A_320 = tpu.vector_load %arg11[%swap3A_318, %swap3A_319] {strides = array<i32>} : memref<128x64xf32, #tpu.memory_space<vmem>>, vector<1x16xf32>,
        %swap3A_321 = vector.shape_cast %swap3A_320 : vector<1x16xf32> to vector<16xf32>
        %swap3A_322 = vector.shape_cast %add3A_317 : vector<16xf32> to vector<1x16xf32>
        tpu.vector_store %arg11[%swap3A_318, %swap3A_319], %swap3A_322 {strides = array<i32>} : memref<128x64xf32, #tpu.memory_space<vmem>>, vector<1x16xf32>,
        %get3A_323 = arith.index_cast %add3A_292 : i32 to index
        %get3A_324 = arith.constant 48 : index
        %get3A_325 = tpu.vector_load %arg9[%get3A_323, %get3A_324] {strides = array<i32>} : memref<128x64xf32, #tpu.memory_space<vmem>>, vector<1x16xf32>,
        %get3A_326 = vector.shape_cast %get3A_325 : vector<1x16xf32> to vector<16xf32>
        %add3A_327 = arith.addf %get3A_326, %get3A_141 : vector<16xf32>
        %swap3A_328 = arith.index_cast %add3A_292 : i32 to index
        %swap3A_329 = arith.constant 48 : index
        %swap3A_330 = tpu.vector_load %arg11[%swap3A_328, %swap3A_329] {strides = array<i32>} : memref<128x64xf32, #tpu.memory_space<vmem>>, vector<1x16xf32>,
        %swap3A_331 = vector.shape_cast %swap3A_330 : vector<1x16xf32> to vector<16xf32>
        %swap3A_332 = vector.shape_cast %add3A_327 : vector<16xf32> to vector<1x16xf32>
        tpu.vector_store %arg11[%swap3A_328, %swap3A_329], %swap3A_332 {strides = array<i32>} : memref<128x64xf32, #tpu.memory_space<vmem>>, vector<1x16xf32>,
        %mul3A_333 = arith.constant 4 : i32
        %mul3A_334 = arith.muli %scan3A_201, %mul3A_333 : i32
        %add3A_335 = arith.constant 3 : i32
        %add3A_336 = arith.addi %mul3A_334, %add3A_335 : i32
        %get3A_337 = arith.index_cast %add3A_336 : i32 to index
        %get3A_338 = arith.constant 0 : index
        %get3A_339 = tpu.vector_load %arg9[%get3A_337, %get3A_338] {strides = array<i32>} : memref<128x64xf32, #tpu.memory_space<vmem>>, vector<1x16xf32>,
        %get3A_340 = vector.shape_cast %get3A_339 : vector<1x16xf32> to vector<16xf32>
        %add3A_341 = arith.addf %get3A_340, %get3A_129 : vector<16xf32>
        %swap3A_342 = arith.index_cast %add3A_336 : i32 to index
        %swap3A_343 = arith.constant 0 : index
        %swap3A_344 = tpu.vector_load %arg11[%swap3A_342, %swap3A_343] {strides = array<i32>} : memref<128x64xf32, #tpu.memory_space<vmem>>, vector<1x16xf32>,
        %swap3A_345 = vector.shape_cast %swap3A_344 : vector<1x16xf32> to vector<16xf32>
        %swap3A_346 = vector.shape_cast %add3A_341 : vector<16xf32> to vector<1x16xf32>
        tpu.vector_store %arg11[%swap3A_342, %swap3A_343], %swap3A_346 {strides = array<i32>} : memref<128x64xf32, #tpu.memory_space<vmem>>, vector<1x16xf32>,
        %get3A_347 = arith.index_cast %add3A_336 : i32 to index
        %get3A_348 = arith.constant 16 : index
        %get3A_349 = tpu.vector_load %arg9[%get3A_347, %get3A_348] {strides = array<i32>} : memref<128x64xf32, #tpu.memory_space<vmem>>, vector<1x16xf32>,
        %get3A_350 = vector.shape_cast %get3A_349 : vector<1x16xf32> to vector<16xf32>
        %add3A_351 = arith.addf %get3A_350, %get3A_133 : vector<16xf32>
        %swap3A_352 = arith.index_cast %add3A_336 : i32 to index
        %swap3A_353 = arith.constant 16 : index
        %swap3A_354 = tpu.vector_load %arg11[%swap3A_352, %swap3A_353] {strides = array<i32>} : memref<128x64xf32, #tpu.memory_space<vmem>>, vector<1x16xf32>,
        %swap3A_355 = vector.shape_cast %swap3A_354 : vector<1x16xf32> to vector<16xf32>
        %swap3A_356 = vector.shape_cast %add3A_351 : vector<16xf32> to vector<1x16xf32>
        tpu.vector_store %arg11[%swap3A_352, %swap3A_353], %swap3A_356 {strides = array<i32>} : memref<128x64xf32, #tpu.memory_space<vmem>>, vector<1x16xf32>,
        %get3A_357 = arith.index_cast %add3A_336 : i32 to index
        %get3A_358 = arith.constant 32 : index
        %get3A_359 = tpu.vector_load %arg9[%get3A_357, %get3A_358] {strides = array<i32>} : memref<128x64xf32, #tpu.memory_space<vmem>>, vector<1x16xf32>,
        %get3A_360 = vector.shape_cast %get3A_359 : vector<1x16xf32> to vector<16xf32>
        %add3A_361 = arith.addf %get3A_360, %get3A_137 : vector<16xf32>
        %swap3A_362 = arith.index_cast %add3A_336 : i32 to index
        %swap3A_363 = arith.constant 32 : index
        %swap3A_364 = tpu.vector_load %arg11[%swap3A_362, %swap3A_363] {strides = array<i32>} : memref<128x64xf32, #tpu.memory_space<vmem>>, vector<1x16xf32>,
        %swap3A_365 = vector.shape_cast %swap3A_364 : vector<1x16xf32> to vector<16xf32>
        %swap3A_366 = vector.shape_cast %add3A_361 : vector<16xf32> to vector<1x16xf32>
        tpu.vector_store %arg11[%swap3A_362, %swap3A_363], %swap3A_366 {strides = array<i32>} : memref<128x64xf32, #tpu.memory_space<vmem>>, vector<1x16xf32>,
        %get3A_367 = arith.index_cast %add3A_336 : i32 to index
        %get3A_368 = arith.constant 48 : index
        %get3A_369 = tpu.vector_load %arg9[%get3A_367, %get3A_368] {strides = array<i32>} : memref<128x64xf32, #tpu.memory_space<vmem>>, vector<1x16xf32>,
        %get3A_370 = vector.shape_cast %get3A_369 : vector<1x16xf32> to vector<16xf32>
        %add3A_371 = arith.addf %get3A_370, %get3A_141 : vector<16xf32>
        %swap3A_372 = arith.index_cast %add3A_336 : i32 to index
        %swap3A_373 = arith.constant 48 : index
        %swap3A_374 = tpu.vector_load %arg11[%swap3A_372, %swap3A_373] {strides = array<i32>} : memref<128x64xf32, #tpu.memory_space<vmem>>, vector<1x16xf32>,
        %swap3A_375 = vector.shape_cast %swap3A_374 : vector<1x16xf32> to vector<16xf32>
        %swap3A_376 = vector.shape_cast %add3A_371 : vector<16xf32> to vector<1x16xf32>
        tpu.vector_store %arg11[%swap3A_372, %swap3A_373], %swap3A_376 {strides = array<i32>} : memref<128x64xf32, #tpu.memory_space<vmem>>, vector<1x16xf32>,
      }
      %scan3A_147 = arith.constant 32 : i32
      %add3A_148 = arith.constant 2 : i32
      %add3A_149 = arith.addi %add3A_114, %add3A_148 : i32
      %lt3A_150 = arith.constant 200 : i32
      %lt3A_151 = arith.cmpi slt, %add3A_149, %lt3A_150 : i32
      %convert_element_type3A_152 = arith.extui %lt3A_151 : i1 to i32
      %cond3A_153 = arith.constant 0 : i32
      %cond3A_154 = arith.cmpi ne, %convert_element_type3A_152, %cond3A_153 : i32
      scf.if %cond3A_154 {
        %add3A_201 = arith.constant 2 : i32
        %add3A_202 = arith.addi %add3A_114, %add3A_201 : i32
        %dma_start3A_203 = arith.constant 0 : i32
        %dma_start3A_204 = tpu.memref_slice %arg6[%add3A_202, %dma_start3A_203] : memref<200x128xi32, #tpu.memory_space<vmem>> -> memref<1x128xi32, #tpu.memory_space<vmem>>
        %dma_start3A_205 = tpu.memref_squeeze %dma_start3A_204 : memref<1x128xi32, #tpu.memory_space<vmem>> -> memref<128xi32, #tpu.memory_space<vmem>>
        %dma_start3A_206 = arith.constant 0 : i32
        %dma_start3A_207 = arith.constant 0 : i32
        %dma_start3A_208 = tpu.memref_slice %arg4[%dma_start3A_206, %dma_start3A_207] : memref<1000000x64xf32, #tpu.memory_space<hbm>> -> memref<1000000x64xf32, #tpu.memory_space<hbm>>
        tpu.enqueue_indirect_dma source(%dma_start3A_208 : memref<1000000x64xf32, #tpu.memory_space<hbm>>) target(%arg9 : memref<128x64xf32, #tpu.memory_space<vmem>>) offsets(%dma_start3A_205 : memref<128xi32, #tpu.memory_space<vmem>>) semaphore(%arg13 : memref<!tpu.dma_semaphore, #tpu.memory_space<semaphore_mem>>)
      } else {
      }
      %jit3A_155 = arith.constant 2 : i32
      %div3A_156 = arith.divsi %add3A_114, %jit3A_155 : i32
      %sign3A_157 = arith.constant 0 : i32
      %sign3A_158 = arith.cmpi sgt, %add3A_114, %sign3A_157 : i32
      %sign3A_159 = arith.extui %sign3A_158 : i1 to i32
      %sign3A_160 = arith.constant 0 : i32
      %sign3A_161 = arith.cmpi slt, %add3A_114, %sign3A_160 : i32
      %sign3A_162 = arith.extui %sign3A_161 : i1 to i32
      %sign3A_163 = arith.subi %sign3A_159, %sign3A_162 : i32
      %sign3A_164 = arith.constant 0 : i32
      %sign3A_165 = arith.cmpi sgt, %jit3A_155, %sign3A_164 : i32
      %sign3A_166 = arith.extui %sign3A_165 : i1 to i32
      %sign3A_167 = arith.constant 0 : i32
      %sign3A_168 = arith.cmpi slt, %jit3A_155, %sign3A_167 : i32
      %sign3A_169 = arith.extui %sign3A_168 : i1 to i32
      %sign3A_170 = arith.subi %sign3A_166, %sign3A_169 : i32
      %ne3A_171 = arith.cmpi ne, %sign3A_163, %sign3A_170 : i32
      %rem3A_172 = arith.remsi %add3A_114, %jit3A_155 : i32
      %ne3A_173 = arith.constant 0 : i32
      %ne3A_174 = arith.cmpi ne, %rem3A_172, %ne3A_173 : i32
      %and3A_175 = arith.andi %ne3A_171, %ne3A_174 : i1
      %sub3A_176 = arith.constant 1 : i32
      %sub3A_177 = arith.subi %div3A_156, %sub3A_176 : i32
      %select_n3A_178 = arith.select %and3A_175, %sub3A_177, %div3A_156 : i32
      %jit3A_179 = arith.constant 2 : i32
      %eq3A_180 = arith.constant 0 : i32
      %eq3A_181 = arith.cmpi eq, %jit3A_179, %eq3A_180 : i32
      %jit3A_182 = arith.constant 1 : i32
      %select_n3A_183 = arith.select %eq3A_181, %jit3A_182, %jit3A_179 : i32
      %rem3A_184 = arith.remsi %add3A_114, %select_n3A_183 : i32
      %ne3A_185 = arith.constant 0 : i32
      %ne3A_186 = arith.cmpi ne, %rem3A_184, %ne3A_185 : i32
      %lt3A_187 = arith.constant 0 : i32
      %lt3A_188 = arith.cmpi slt, %rem3A_184, %lt3A_187 : i32
      %lt3A_189 = arith.constant 0 : i32
      %lt3A_190 = arith.cmpi slt, %select_n3A_183, %lt3A_189 : i32
      %ne3A_191 = arith.xori %lt3A_188, %lt3A_190 : i1
      %and3A_192 = arith.andi %ne3A_191, %ne3A_186 : i1
      %add3A_193 = arith.addi %rem3A_184, %select_n3A_183 : i32
      %select_n3A_194 = arith.select %and3A_192, %add3A_193, %rem3A_184 : i32
      %mul3A_195 = arith.constant 64 : i32
      %mul3A_196 = arith.muli %mul3A_195, %select_n3A_194 : i32
      %dma_start3A_197 = tpu.memref_slice %arg5[%select_n3A_178, %mul3A_2, %mul3A_196] : memref<100x4096x128xf32, #tpu.memory_space<hbm>> -> memref<1x128x64xf32, #tpu.memory_space<hbm>>
      %dma_start3A_198 = tpu.memref_squeeze %dma_start3A_197 : memref<1x128x64xf32, #tpu.memory_space<hbm>> -> memref<128x64xf32, #tpu.memory_space<hbm>>
      %dma_start3A_199 = tpu.memref_slice %arg5[%select_n3A_178, %mul3A_2, %mul3A_196] : memref<100x4096x128xf32, #tpu.memory_space<hbm>> -> memref<1x128x64xf32, #tpu.memory_space<hbm>>
      %dma_start3A_200 = tpu.memref_squeeze %dma_start3A_199 : memref<1x128x64xf32, #tpu.memory_space<hbm>> -> memref<128x64xf32, #tpu.memory_space<hbm>>
      tpu.enqueue_dma source(%arg11 : memref<128x64xf32, #tpu.memory_space<vmem>>) target(%dma_start3A_200 : memref<128x64xf32, #tpu.memory_space<hbm>>) target_semaphore(%arg15 : memref<!tpu.dma_semaphore, #tpu.memory_space<semaphore_mem>>)
    }
    %scan3A_20 = arith.constant 100 : i32
    %dma_wait3A = arith.constant 99 : i32
    %dma_wait3A_21 = arith.constant 0 : i32
    %dma_wait3A_22 = tpu.memref_slice %arg5[%dma_wait3A, %mul3A_2, %dma_wait3A_21] : memref<100x4096x128xf32, #tpu.memory_space<hbm>> -> memref<1x128x64xf32, #tpu.memory_space<hbm>>
    %dma_wait3A_23 = tpu.memref_squeeze %dma_wait3A_22 : memref<1x128x64xf32, #tpu.memory_space<hbm>> -> memref<128x64xf32, #tpu.memory_space<hbm>>
    %dma_wait3A_24 = arith.constant 0 : i32
    %dma_wait3A_25 = tpu.memref_slice %arg5[%dma_wait3A, %mul3A_2, %dma_wait3A_24] : memref<100x4096x128xf32, #tpu.memory_space<hbm>> -> memref<1x128x64xf32, #tpu.memory_space<hbm>>
    %dma_wait3A_26 = tpu.memref_squeeze %dma_wait3A_25 : memref<1x128x64xf32, #tpu.memory_space<hbm>> -> memref<128x64xf32, #tpu.memory_space<hbm>>
    tpu.wait_dma2 semaphore(%arg14 : memref<!tpu.dma_semaphore, #tpu.memory_space<semaphore_mem>>) src(%arg10 : memref<128x64xf32, #tpu.memory_space<vmem>>) dst(%dma_wait3A_26 : memref<128x64xf32, #tpu.memory_space<hbm>>)
    %dma_wait3A_27 = arith.constant 99 : i32
    %dma_wait3A_28 = arith.constant 64 : i32
    %dma_wait3A_29 = tpu.memref_slice %arg5[%dma_wait3A_27, %mul3A_2, %dma_wait3A_28] : memref<100x4096x128xf32, #tpu.memory_space<hbm>> -> memref<1x128x64xf32, #tpu.memory_space<hbm>>
    %dma_wait3A_30 = tpu.memref_squeeze %dma_wait3A_29 : memref<1x128x64xf32, #tpu.memory_space<hbm>> -> memref<128x64xf32, #tpu.memory_space<hbm>>
    %dma_wait3A_31 = arith.constant 64 : i32
    %dma_wait3A_32 = tpu.memref_slice %arg5[%dma_wait3A_27, %mul3A_2, %dma_wait3A_31] : memref<100x4096x128xf32, #tpu.memory_space<hbm>> -> memref<1x128x64xf32, #tpu.memory_space<hbm>>
    %dma_wait3A_33 = tpu.memref_squeeze %dma_wait3A_32 : memref<1x128x64xf32, #tpu.memory_space<hbm>> -> memref<128x64xf32, #tpu.memory_space<hbm>>
    tpu.wait_dma2 semaphore(%arg15 : memref<!tpu.dma_semaphore, #tpu.memory_space<semaphore_mem>>) src(%arg11 : memref<128x64xf32, #tpu.memory_space<vmem>>) dst(%dma_wait3A_33 : memref<128x64xf32, #tpu.memory_space<hbm>>)
    return
  }
}

module attributes {stable_mosaic.version = 14 : i64} {
  func.func @_tc_transpose_body(%arg0: i32, %arg1: memref<4x4096x128xf32, #tpu.memory_space<vmem>>, %arg2: memref<512x4096xf32, #tpu.memory_space<vmem>>) attributes {dimension_semantics = [#tpu.dimension_semantics<arbitrary>], iteration_bounds = array<i64: 25>, scalar_prefetch = 0 : i64, scratch_operands = 0 : i64, tpu.core_type = #tpu.core_type<tc>, window_params = [{transform_indices = @transform_0, window_bounds = array<i64: 4, 4096, 128>}, {transform_indices = @transform_1, window_bounds = array<i64: 512, 4096>}]} {
    %get3A = arith.constant 0 : index
    %get3A_0 = arith.constant 0 : index
    %get3A_1 = arith.constant 0 : index
    %get3A_2 = vector.load %arg1[%get3A, %get3A_0, %get3A_1] : memref<4x4096x128xf32, #tpu.memory_space<vmem>>, vector<1x4096x128xf32>
    %get3A_3 = vector.shape_cast %get3A_2 : vector<1x4096x128xf32> to vector<4096x128xf32>
    %transpose3A = tpu.transpose %get3A_3, [1, 0] : vector<4096x128xf32> -> vector<128x4096xf32>
    %swap3A = arith.constant 0 : index
    %swap3A_4 = arith.constant 0 : index
    %swap3A_5 = vector.load %arg2[%swap3A, %swap3A_4] : memref<512x4096xf32, #tpu.memory_space<vmem>>, vector<128x4096xf32>
    tpu.vector_store %arg2[%swap3A, %swap3A_4], %transpose3A {strides = array<i32>} : memref<512x4096xf32, #tpu.memory_space<vmem>>, vector<128x4096xf32>,
    %get3A_6 = arith.constant 1 : index
    %get3A_7 = arith.constant 0 : index
    %get3A_8 = arith.constant 0 : index
    %get3A_9 = vector.load %arg1[%get3A_6, %get3A_7, %get3A_8] : memref<4x4096x128xf32, #tpu.memory_space<vmem>>, vector<1x4096x128xf32>
    %get3A_10 = vector.shape_cast %get3A_9 : vector<1x4096x128xf32> to vector<4096x128xf32>
    %transpose3A_11 = tpu.transpose %get3A_10, [1, 0] : vector<4096x128xf32> -> vector<128x4096xf32>
    %swap3A_12 = arith.constant 128 : index
    %swap3A_13 = arith.constant 0 : index
    %swap3A_14 = vector.load %arg2[%swap3A_12, %swap3A_13] : memref<512x4096xf32, #tpu.memory_space<vmem>>, vector<128x4096xf32>
    tpu.vector_store %arg2[%swap3A_12, %swap3A_13], %transpose3A_11 {strides = array<i32>} : memref<512x4096xf32, #tpu.memory_space<vmem>>, vector<128x4096xf32>,
    %get3A_15 = arith.constant 2 : index
    %get3A_16 = arith.constant 0 : index
    %get3A_17 = arith.constant 0 : index
    %get3A_18 = vector.load %arg1[%get3A_15, %get3A_16, %get3A_17] : memref<4x4096x128xf32, #tpu.memory_space<vmem>>, vector<1x4096x128xf32>
    %get3A_19 = vector.shape_cast %get3A_18 : vector<1x4096x128xf32> to vector<4096x128xf32>
    %transpose3A_20 = tpu.transpose %get3A_19, [1, 0] : vector<4096x128xf32> -> vector<128x4096xf32>
    %swap3A_21 = arith.constant 256 : index
    %swap3A_22 = arith.constant 0 : index
    %swap3A_23 = vector.load %arg2[%swap3A_21, %swap3A_22] : memref<512x4096xf32, #tpu.memory_space<vmem>>, vector<128x4096xf32>
    tpu.vector_store %arg2[%swap3A_21, %swap3A_22], %transpose3A_20 {strides = array<i32>} : memref<512x4096xf32, #tpu.memory_space<vmem>>, vector<128x4096xf32>,
    %get3A_24 = arith.constant 3 : index
    %get3A_25 = arith.constant 0 : index
    %get3A_26 = arith.constant 0 : index
    %get3A_27 = vector.load %arg1[%get3A_24, %get3A_25, %get3A_26] : memref<4x4096x128xf32, #tpu.memory_space<vmem>>, vector<1x4096x128xf32>
    %get3A_28 = vector.shape_cast %get3A_27 : vector<1x4096x128xf32> to vector<4096x128xf32>
    %transpose3A_29 = tpu.transpose %get3A_28, [1, 0] : vector<4096x128xf32> -> vector<128x4096xf32>
    %swap3A_30 = arith.constant 384 : index
    %swap3A_31 = arith.constant 0 : index
    %swap3A_32 = vector.load %arg2[%swap3A_30, %swap3A_31] : memref<512x4096xf32, #tpu.memory_space<vmem>>, vector<128x4096xf32>
    tpu.vector_store %arg2[%swap3A_30, %swap3A_31], %transpose3A_29 {strides = array<i32>} : memref<512x4096xf32, #tpu.memory_space<vmem>>, vector<128x4096xf32>,
    return
  }
  func.func @transform_0(%arg0: i32) -> (i32, i32, i32) {
    %c0_i32 = arith.constant 0 : i32
    %c0_i32_0 = arith.constant 0 : i32
    %c0_i32_1 = arith.constant 0 : i32
    return %arg0, %c0_i32, %c0_i32_0 : i32, i32, i32
  }
  func.func @transform_1(%arg0: i32) -> (i32, i32) {
    %c0_i32 = arith.constant 0 : i32
    %c0_i32_0 = arith.constant 0 : i32
    return %arg0, %c0_i32 : i32, i32
  }
}

</mosaic_0001>

<sc_bundles>
// kernel: kernel.4.cloned.1.call-start
scs
__scs_entry_jumppad:
0x0: {  	(pc) =	sbr.rel $0x88, $3  }
0x1: {  	(tag) =	ssettag $0x0;
	lr =	simm.s32 $0x1  }
0x2: {  	[smem:$0x3F9E] =	sst lr;
	_ =	strace $0xD0000000  }
0x3: {  	_ = 	snop  }
0x4: {  	_ = 	snop  }
0x5: {  	_ = 	snop  }
0x6: {  	_ = 	snop  }
0x7: {  	_ = 	snop  }
__scs_overlays_trampoline_lowered:
0x8: {  	[smem:$0x3FAD] =	sst s0  }
0x9: {  	[smem:$0x3FAE] =	sst s1  }
0xa: {  	[smem:$0x3FAF] =	sst s2  }
0xb: {  	[smem:$0x3FB0] =	sst s3  }
0xc: {  	[smem:$0x3FB1] =	sst s4  }
0xd: {  	[smem:$0x3FB2] =	sst s5  }
0xe: {  	[smem:$0x3FB3] =	sst s6  }
0xf: {  	[smem:$0x3FB4] =	sst s7  }
0x10: {  	[smem:$0x3FB5] =	sst s8  }
0x11: {  	[smem:$0x3FB6] =	sst s9;
	s0 =	simm.s32 @!p0 $0x0  }
0x12: {  	s1 =	sld [smem:$0x3F9C];
	s0 =	simm.s32 @p0 $0x1  }
0x13: {  	[smem:$0x3FB7] =	sst s0;
	s0 =	simm.s32 @!p1 $0x0  }
0x14: {  	s2 =	sld [smem:$0x3F9B];
	s0 =	simm.s32 @p1 $0x1  }
0x15: {  	[smem:$0x3FB8] =	sst s0;
	s0 =	simm.s32 @!p2 $0x0  }
0x16: {  	s3 =	sld [smem:$0x3FDB];
	s0 =	simm.s32 @p2 $0x1  }
0x17: {  	s4 =	simm.s32 $0x1BF5;
	[smem:$0x3FBA] =	sst s0  }
0x18: {  	s0 =	sld [smem:$0x3F9D];
	_ =	swait.ge [sflag:s4], $0x0  }
0x19: {  	s7 =	sld [smem:$0x3F9E]  }
0x1a: {  	s8 =	sadd.s32 $0xFFFFE003, lr  }
0x1b: {  	s9 =	sadd.s32 $0xFFFFFEF7, lr;
	s5 =	simm.s32 $0xFFFFFFFF;
	p2 =	slt.u32 s8, $0xFFFFF086  }
0x1c: {  	p1 =	slt.u32 s9, $0xF7A;
	s5 =	simm.s32 @!p2 $0x0  }
0x1d: {  	s5 =	simm.s32 @p1 $0x1;
	p0 =	seq.s32 s7, s2  }
0x1e: {  	s7 =	smul.u32 @!p0 $0xF7A, s2;
	p2 =	seq.s32 @!p0 s5, $0x0  }
0x1f: {  	s9 =	smul.u32 $0xF7A, s1;
	s8 =	simm.s32 @!p0 $0x1BF5;
	p2 =	por !p2, p0  }
0x20: {  	[sflag:s8] =	ssyncset.s32 @!p0 $0xFFFFF086;
	s6 =	sadd.s32 @!p0 s3, s7;
	s7 =	simm.s32 @!p0 $0x108  }
0x21: {  	s3 =	sadd.s32 s3, s9;
	s6 =	sadd.s32 @!p0 $0x88, s6;
	s7 =	simm.s32 @p2 $0x1082  }
0x22: {  	[simem:s7], [sflag:s8] =	dma.local @!p0 [hbm:s6], $0xF7A  }
0x23: {  	s9 =	sor.u32 $0xD0000000, s2;
	s6 =	simm.s32 $0x108;
	_ =	swait.ge @!p0 [sflag:s8], $0x0  }
0x24: {  	s3 =	sadd.s32 $0x88, s3;
	s6 =	simm.s32 @!p1 $0x1082;
	[sflag:s4] =	ssyncset.s32 $0xFFFFF086  }
0x25: {  	[simem:s6], [sflag:s4] =	dma.local [hbm:s3], $0xF7A  }
0x26: {  	[smem:$0x3F9E] =	sst s1;
	(tag) =	ssettag s2;
	_ =	strace s9  }
0x27: {  	s1 =	sld [smem:$0x3FAE]  }
0x28: {  	s2 =	sld [smem:$0x3FAF]  }
0x29: {  	s4 =	sld [smem:$0x3FB1]  }
0x2a: {  	p0 =	seq.s32 s5, $0x0;
	s5 =	sld [smem:$0x3FB2]  }
0x2b: {  	s6 =	sld [smem:$0x3FB3]  }
0x2c: {  	s7 =	sld [smem:$0x3FB4]  }
0x2d: {  	s3 =	simm.s32 $0x108;
	s8 =	sld [smem:$0x3FB5]  }
0x2e: {  	s3 =	simm.s32 @!p0 $0x1082;
	s9 =	sld [smem:$0x3FB6]  }
0x2f: {  	lr =	sadd.s32 s0, s3;
	s0 =	sld [smem:$0x3FAD]  }
0x30: {  	s3 =	sld [smem:$0x3FB0]  }
0x31: {  	[smem:$0x3FB9] =	sst s10  }
0x32: {  	s10 =	sld [smem:$0x3FB7];
	_ =	sdelay $0x3  }
0x33: {  	p0 =	seq.s32 s10, $0x1;
	s10 =	sld [smem:$0x3FB9];
	_ =	sdelay $0x3  }
0x34: {  	[smem:$0x3FB9] =	sst s10  }
0x35: {  	s10 =	sld [smem:$0x3FB8];
	_ =	sdelay $0x3  }
0x36: {  	p1 =	seq.s32 s10, $0x1;
	s10 =	sld [smem:$0x3FB9];
	_ =	sdelay $0x3  }
0x37: {  	[smem:$0x3FB9] =	sst s10  }
0x38: {  	s10 =	sld [smem:$0x3FBA]  }
0x39: {  	_ = 	snop;
	(pc) =	sbr.ind lr, $3  }
0x3a: {  	_ = 	snop  }
0x3b: {  	_ = 	snop  }
0x3c: {  	p2 =	seq.s32 s10, $0x1;
	s10 =	sld [smem:$0x3FB9]  }
0x3d: {  	_ =	shalt  }
0x3e: {  	_ =	shalt  }
0x3f: {  	_ =	shalt  }
0x40: {  	_ =	shalt  }
0x41: {  	_ =	shalt  }
0x42: {  	_ =	shalt  }
0x43: {  	_ =	shalt  }
0x44: {  	_ =	shalt  }
0x45: {  	_ =	shalt  }
0x46: {  	_ =	shalt  }
0x47: {  	_ =	shalt  }
0x48: {  	_ =	shalt  }
0x49: {  	_ =	shalt  }
0x4a: {  	_ =	shalt  }
0x4b: {  	_ =	shalt  }
0x4c: {  	_ =	shalt  }
0x4d: {  	_ =	shalt  }
0x4e: {  	_ =	shalt  }
0x4f: {  	_ =	shalt  }
0x50: {  	_ =	shalt  }
0x51: {  	_ =	shalt  }
0x52: {  	_ =	shalt  }
0x53: {  	_ =	shalt  }
0x54: {  	_ =	shalt  }
0x55: {  	_ =	shalt  }
0x56: {  	_ =	shalt  }
0x57: {  	_ =	shalt  }
0x58: {  	_ =	shalt  }
0x59: {  	_ =	shalt  }
0x5a: {  	_ =	shalt  }
0x5b: {  	_ =	shalt  }
0x5c: {  	_ =	shalt  }
0x5d: {  	_ =	shalt  }
0x5e: {  	_ =	shalt  }
0x5f: {  	_ =	shalt  }
0x60: {  	_ =	shalt  }
0x61: {  	_ =	shalt  }
0x62: {  	_ =	shalt  }
0x63: {  	_ =	shalt  }
0x64: {  	_ =	shalt  }
0x65: {  	_ =	shalt  }
0x66: {  	_ =	shalt  }
0x67: {  	_ =	shalt  }
0x68: {  	_ =	shalt  }
0x69: {  	_ =	shalt  }
0x6a: {  	_ =	shalt  }
0x6b: {  	_ =	shalt  }
0x6c: {  	_ =	shalt  }
0x6d: {  	_ =	shalt  }
0x6e: {  	_ =	shalt  }
0x6f: {  	_ =	shalt  }
0x70: {  	_ =	shalt  }
0x71: {  	_ =	shalt  }
0x72: {  	_ =	shalt  }
0x73: {  	_ =	shalt  }
0x74: {  	_ =	shalt  }
0x75: {  	_ =	shalt  }
0x76: {  	_ =	shalt  }
0x77: {  	_ =	shalt  }
0x78: {  	_ =	shalt  }
0x79: {  	_ =	shalt  }
0x7a: {  	_ =	shalt  }
0x7b: {  	_ =	shalt  }
0x7c: {  	_ =	shalt  }
0x7d: {  	_ =	shalt  }
0x7e: {  	_ =	shalt  }
0x7f: {  	_ =	shalt  }
0x80: {  	_ =	shalt  }
0x81: {  	_ =	shalt  }
0x82: {  	_ =	shalt  }
0x83: {  	_ =	shalt  }
0x84: {  	_ =	shalt  }
0x85: {  	_ =	shalt  }
0x86: {  	_ =	shalt  }
0x87: {  	_ =	shalt  }
.Lfunc_end0:
.L_simem_size_0:
called_computation_lowered:
.L_overlay_start_0:
0x88: {  	s2 =	sld [smem:$0x3FD9]  }
0x89: {  	s3 =	sld [smem:$0x3FFE];
	_ =	sdelay $0x1  }
0x8a: {  	s1 =	srdreg.scid  }
0x8b: {  	s0 =	sand.u32 $0x1, s1  }
0x8c: {  	s17 =	sshll.u32 s0, $0xA;
	s2 =	sadd.s32 s3, s2  }
0x8d: {  	s2 =	sadd.s32 s2, s17  }
0x8e: {  	[smem:$0x3FC5] =	sst s2  }
0x8f: {  	_ = 	snop  }
0x90: {  	s2 =	sld [smem:$0x3FD0];
	(tm) =	ssettm $0x1  }
0x91: {  	s18 =	sld [smem:$0x3FFB];
	_ =	sdelay $0x3  }
0x92: {  	_ =	strace s18  }
0x93: {  	s3 =	sld [smem:$0x3FFC];
	_ =	sdelay $0x3  }
0x94: {  	_ =	strace s3  }
0x95: {  	s3 =	sld [smem:$0x3FFD];
	_ =	sdelay $0x3  }
0x96: {  	_ =	strace s3  }
0x97: {  	_ =	strace $0x8FFFFFFF  }
0x98: {  	s19 =	sld [smem:$0x3FDB];
	_ =	sdelay $0x1  }
0x99: {  	s4 =	simm.s32 $_scs_section_size  }
0x9a: {  	s5 =	simm.s32 $_size__tile_overlayer_lowered;
	s6 =	simm.s32 $_tile_overlayer_lowered  }
0x9b: {  	s22 =	simm.s32 $0x1BFF;
	s21 =	sshll.u32 s6, $0x1;
	s3 =	sadd.s32 s4, s19  }
0x9c: {  	s7 =	simm.s32 $0x0;
	s20 =	sshll.u32 s5, $0x1;
	s5 =	sadd.s32 s21, s3  }
0x9d: {  	[timem:s7], [sflag:s22] =	dma.local [hbm:s5], s20  }
0x9e: {  	_ =	swait.ge [sflag:s22], s20  }
0x9f: {  	s4 =	ssub.s32 $0x0, s20;
	[sflag:s22] =	ssyncset.done $0x0  }
0xa0: {  	[sflag:s22] =	ssyncadd.s32 s4;
	_ =	sdelay $0x1  }
0xa1: {  	s23 =	simm.s32 $0x1B8B  }
0xa2: {  	_ =	swait.ge [sflag:s23], $0x1  }
0xa3: {  	[sflag:s23] =	ssyncset.done $0x0  }
0xa4: {  	s25 =	simm.s32 $0x1B8E;
	s24 =	sld [smem:$0x3FFE];
	[sflag:s23] =	ssyncadd.s32 $0xFFFFFFFF  }
0xa5: {  	s26 =	simm.s32 $execute0_lowered;
	[smem:$0x3FD2] =	sst s25  }
0xa6: {  	s5 =	sshll.u32 s26, $0x1;
	_ =	strace $0x80000046;
	[dreg:$0x1] =	wrdreg $0xFFFFFFFF  }
0xa7: {  	s28 =	simm.s32 $_size_execute0_lowered;
	s3 =	sadd.s32 s3, s5;
	[dreg:$0x0] =	wrdreg $0x0  }
0xa8: {  	s5 =	sshll.u32 s28, $0x1;
	[dreg:$0x2] =	wrdreg s3  }
0xa9: {  	[dreg:$0x3] =	wrdreg s5  }
0xaa: {  	[dreg:$0x4] =	wrdreg $0xC0  }
0xab: {  	_ =	task [dreg:s7], $0x5FFFF  }
0xac: {  	[dreg:$0x1] =	wrdreg $0xFFFFFFFF  }
0xad: {  	[dreg:$0x0] =	wrdreg $0x60  }
0xae: {  	[dreg:$0x2] =	wrdreg s2  }
0xaf: {  	[dreg:$0x3] =	wrdreg s24  }
0xb0: {  	[dreg:$0x4] =	wrdreg $0x9  }
0xb1: {  	_ =	task.clear_ibuf [dreg:s7], $0x5FFFF;
	_ =	strace $0x90000046  }
0xb2: {  	s29 =	simm.s32 $0x9;
	_ =	strace $0x80000048  }
0xb3: {  	_ =	swait.ge [sflag:s29], $0x1  }
0xb4: {  	[sflag:s29] =	ssyncadd.s32 $0xFFFFFFFF  }
0xb5: {  	_ =	strace $0x90000048  }
0xb6: {  	_ =	sfence  }
0xb7: {  	s30 =	sld [smem:$0x0];
	_ =	sdelay $0x2  }
0xb8: {  	s31 =	sshll.u32 s1, $0xD;
	s1 =	sshrl.u32 s1, $0x2  }
0xb9: {  	s3 =	sand.u32 $0x4000, s31;
	s1 =	sadd.s32 s1, s30  }
0xba: {  	s0 =	sor.u32 s3, s0;
	s1 =	sshll.u32 s1, $0x11  }
0xbb: {  	s0 =	sor.u32 s1, s0  }
0xbc: {  	s0 =	sadd.s32 $0x8F2B, s0  }
0xbd: {  	[sflag:s0] =	ssyncadd.remote.s32 $0x1  }
0xbe: {  	_ =	sfence.sel $0xFFFF  }
0xbf: {  	[dreg:$0x0] =	wrdreg $0xFFFFFFFF;
	(pc) =	sbr.abs _section_cstart, $3  }
0xc0: {  	[dreg:$0x1] =	wrdreg $0xFFFFFFFF  }
0xc1: {  	_ =	task.clear_ibuf [dreg:s7], $0x2FFFF;
	_ =	strace $0x9FFFFFFF  }
0xc2: {  	(tm) =	ssettm $0x7FFFFFFF  }
0xc3: {  	_ =	shalt  }
tec
execute0_lowered:
.L_overlay_start_1:
0x0: {  	(tag) =	ssettag $0x1  }
0x1: {  	s6 =	rddreg [dreg:$0x0]  }
0x2: {  	s8 =	rddreg [dreg:$0x1]  }
0x3: {  	s0 =	rddreg [dreg:$0x2];
	s1 =	simm.s32 $0x0  }
0x4: {  	s4 =	srdreg.scid;
	s2 =	stileid.u32;
	s11 =	simm.s32 $0x1000  }
0x5: {  	s12 =	simm.s32 $0x5;
	s13 =	simm.s32 $0x6400;
	s14 =	simm.s32 $0x9600  }
0x6: {  	s15 =	simm.s32 $0xB600;
	s16 =	simm.s32 $0x1;
	s17 =	simm.s32 $0x40  }
0x7: {  	s18 =	simm.s32 $0xD600;
	s19 =	simm.s32 $0x2;
	s20 =	simm.s32 $0xF600  }
0x8: {  	s21 =	simm.s32 $0x3;
	s22 =	simm.s32 $0x4;
	s23 =	simm.s32 $0x0  }
0x9: {  	[smem:$0x7FF] =	sst s1;
	s3 =	sadd.s32 $0xA00, s8;
	s4 =	sand.u32 $0x1, s4  }
0xa: {  	s5 =	sshll.u32 s2, $0x8;
	_ =	strace $0x80000047;
	s7 =	ssub.s32 $0x2, s4  }
0xb: {  	s9 =	sshll.u32 s4, $0x7;
	s4 =	sadd.s32 $0xF42E00, s8;
	s10 =	sshrl.u32 s7, $0x1  }
0xc: {  	s9 =	sor.u32 s9, s5;
	s5 =	sadd.s32 $0x1200, s8;
	s8 =	sadd.s32 $0x1208, s8  }
0xd: {  	s10 =	ssub.s32 s7, s10;
	s31 =	sshrl.u32 s9, $0x3;
	s7 =	sshll.u32 s9, $0x4  }
0xe: {  	s6 =	sadd.s32 s6, s31;
	s9 =	smax.u32 s10, $0x1;
	s10 =	simm.s32 $0x80  }
.LBB2_1:
0xf: {  	[tilespmem:s1], [sflag:$0x5] =	stream.strided.gather [hbm4b:s6+s10], $0x6400, s11, s10, $0x38;
	[tilespmem:$0x11600] =	vst v63  }
0x10: {  	_ =	swait.ge [sflag:s12], $0x6400  }
0x11: {  	[sflag:s12] =	ssyncset.done $0x0  }
0x12: {  	[sflag:s12] =	ssyncadd.s32 $0xFFFF9C00  }
0x13: {  	[tilespmem:s13], [sflag:$0x5] =	stream.linear.gather [hbm4b:s3+s1], $0x3200, $0x38;
	[tilespmem:$0x11600] =	vst v63  }
0x14: {  	_ =	swait.ge [sflag:s12], $0x3200  }
0x15: {  	[sflag:s12] =	ssyncset.done $0x0  }
0x16: {  	[sflag:s12] =	ssyncadd.s32 $0xFFFFCE00  }
0x17: {  	[tilespmem:s14], [sflag:$0x1] =	stream.indirect.gather [hbm4b:s4+s10], $0x40, s1, s10, $0xb8;
	[tilespmem:$0x11600] =	vst v63  }
0x18: {  	s24 =	simm.s32 $0x0  }
0x19: {  	[tilespmem:s15], [sflag:$0x2] =	stream.indirect.gather [hbm4b:s4+s10], $0x40, s10, s10, $0xb8;
	[tilespmem:$0x11600] =	vst v63  }
.LBB2_2:
0x1a: {  	_ =	swait.ge [sflag:s16], $0x2000  }
0x1b: {  	p0 =	seq.s32 s24, $0x0;
	[sflag:s16] =	ssyncset.done $0x0  }
0x1c: {  	s25 =	simm.s32 @!p0 $0x3;
	[sflag:s16] =	ssyncadd.s32 $0xFFFFE000  }
0x1d: {  	_ =	swait.ge @!p0 [sflag:s25], $0x2000  }
0x1e: {  	s26 =	sshll.u32 s24, $0x9;
	[sflag:s25] =	ssyncset.done @!p0 $0x0  }
0x1f: {  	[sflag:s25] =	ssyncadd.s32 @!p0 $0xFFFFE000;
	s25 =	sshra.s32 s26, $0x2  }
0x20: {  	v2 =	vld [tilespmem:s25+$0x6400]  }
0x21: {  	v1 =	vld [tilespmem:s25+$0x6410]  }
0x22: {  	v0 =	vld [tilespmem:s25+$0x6420]  }
0x23: {  	s26 =	simm.s32 $0x0;
	v3 =	vld [tilespmem:s25+$0x6430]  }
0x24: {  	v4 =	vld [tilespmem:s26+$0x96F0]  }
0x25: {  	v5 =	vld [tilespmem:s26+$0x9600]  }
0x26: {  	v6 =	vld [tilespmem:s26+$0x9610]  }
0x27: {  	v7 =	vld [tilespmem:s26+$0x9620]  }
0x28: {  	v10 =	vld [tilespmem:s26+$0x9650]  }
0x29: {  	v8 =	vld [tilespmem:s26+$0x9630];
	v4 =	vadd.f32 v4, v3  }
0x2a: {  	v9 =	vld [tilespmem:s26+$0x9640];
	v5 =	vadd.f32 v5, v2  }
0x2b: {  	v11 =	vld [tilespmem:s26+$0x9660];
	[tilespmem:s26+$0xD6F0] =	vst v4;
	v4 =	vadd.f32 v6, v1  }
0x2c: {  	v12 =	vld [tilespmem:s26+$0x9670];
	[tilespmem:s26+$0xD600] =	vst v5;
	v5 =	vadd.f32 v7, v0  }
0x2d: {  	v6 =	vadd.f32 v10, v1;
	[tilespmem:s26+$0xD610] =	vst v4  }
0x2e: {  	v13 =	vld [tilespmem:s26+$0x9680];
	v4 =	vadd.f32 v8, v3;
	[tilespmem:s26+$0xD620] =	vst v5  }
0x2f: {  	v8 =	vld [tilespmem:s26+$0x9690];
	v5 =	vadd.f32 v9, v2;
	[tilespmem:s26+$0xD650] =	vst v6  }
0x30: {  	v7 =	vadd.f32 v11, v0;
	[tilespmem:s26+$0xD630] =	vst v4;
	v4 =	vld [tilespmem:s26+$0x96A0]  }
0x31: {  	v9 =	vadd.f32 v12, v3;
	[tilespmem:s26+$0xD640] =	vst v5;
	v5 =	vld [tilespmem:s26+$0x96B0]  }
0x32: {  	v6 =	vld [tilespmem:s26+$0x96C0];
	[tilespmem:s26+$0xD660] =	vst v7  }
0x33: {  	v7 =	vld [tilespmem:s26+$0x96D0];
	[tilespmem:s26+$0xD670] =	vst v9;
	v9 =	vadd.f32 v13, v2  }
0x34: {  	s28 =	simm.s32 $0x100;
	s29 =	simm.s32 $0x800;
	v10 =	vadd.f32 v8, v1;
	v8 =	vld [tilespmem:s26+$0x96E0]  }
.LBB2_3:
0x35: {  	p1 =	sne.s32 s29, $0x7C00;
	v11 =	vld [tilespmem:s28+$0x96F0];
	[tilespmem:s26+$0xD680] =	vst v9;
	v4 =	vadd.f32 v4, v0  }
0x36: {  	v9 =	vld [tilespmem:s28+$0x9600];
	[tilespmem:s26+$0xD690] =	vst v10;
	v5 =	vadd.f32 v5, v3  }
0x37: {  	v10 =	vld [tilespmem:s28+$0x9610];
	[tilespmem:s26+$0xD6A0] =	vst v4;
	v4 =	vadd.f32 v6, v2  }
0x38: {  	v6 =	vld [tilespmem:s28+$0x9620];
	[tilespmem:s26+$0xD6B0] =	vst v5;
	v5 =	vadd.f32 v7, v1  }
0x39: {  	v7 =	vld [tilespmem:s28+$0x9630];
	[tilespmem:s26+$0xD6C0] =	vst v4;
	v4 =	vadd.f32 v8, v0  }
0x3a: {  	v8 =	vld [tilespmem:s28+$0x9640];
	v11 =	vadd.f32 v11, v3;
	[tilespmem:s26+$0xD6D0] =	vst v5  }
0x3b: {  	v5 =	vadd.f32 v9, v2;
	v9 =	vld [tilespmem:s28+$0x9650];
	[tilespmem:s26+$0xD6E0] =	vst v4;
	s26 =	smov.u32 s28  }
0x3c: {  	v4 =	vadd.f32 v10, v1;
	v10 =	vld [tilespmem:s26+$0x9660];
	[tilespmem:s26+$0xD6F0] =	vst v11  }
0x3d: {  	[tilespmem:s26+$0xD600] =	vst v5;
	v5 =	vadd.f32 v6, v0;
	v6 =	vld [tilespmem:s26+$0x9670]  }
0x3e: {  	[tilespmem:s26+$0xD610] =	vst v4;
	v4 =	vadd.f32 v7, v3;
	v7 =	vld [tilespmem:s26+$0x9680]  }
0x3f: {  	[tilespmem:s26+$0xD620] =	vst v5;
	v5 =	vadd.f32 v8, v2;
	v8 =	vld [tilespmem:s26+$0x9690]  }
.Ltmp0:
0x40: {  	[tilespmem:s26+$0xD630] =	vst v4;
	v9 =	vadd.f32 v9, v1;
	v4 =	vld [tilespmem:s26+$0x96A0];
	(pc) =	sbr.rel @p1 .LBB2_3-.Ltmp0, $4  }
0x41: {  	[tilespmem:s26+$0xD640] =	vst v5;
	v10 =	vadd.f32 v10, v0;
	v5 =	vld [tilespmem:s26+$0x96B0]  }
0x42: {  	[tilespmem:s26+$0xD650] =	vst v9;
	v11 =	vadd.f32 v6, v3;
	v6 =	vld [tilespmem:s26+$0x96C0]  }
0x43: {  	[tilespmem:s26+$0xD660] =	vst v10;
	v9 =	vadd.f32 v7, v2;
	v7 =	vld [tilespmem:s26+$0x96D0]  }
0x44: {  	s28 =	sshra.s32 s29, $0x2;
	s29 =	sadd.s32 $0x400, s29;
	[tilespmem:s26+$0xD670] =	vst v11;
	v10 =	vadd.f32 v8, v1;
	v8 =	vld [tilespmem:s26+$0x96E0]  }
0x45: {  	v11 =	vld [tilespmem:s28+$0x96F0];
	[tilespmem:s26+$0xD680] =	vst v9;
	v4 =	vadd.f32 v4, v0  }
0x46: {  	v9 =	vld [tilespmem:s28+$0x9600];
	[tilespmem:s26+$0xD690] =	vst v10;
	v5 =	vadd.f32 v5, v3  }
0x47: {  	v10 =	vld [tilespmem:s28+$0x9610];
	[tilespmem:s26+$0xD6A0] =	vst v4;
	v6 =	vadd.f32 v6, v2  }
0x48: {  	v4 =	vld [tilespmem:s28+$0x9620];
	[tilespmem:s26+$0xD6B0] =	vst v5;
	v7 =	vadd.f32 v7, v1  }
0x49: {  	v5 =	vld [tilespmem:s28+$0x9630];
	[tilespmem:s26+$0xD6C0] =	vst v6;
	v8 =	vadd.f32 v8, v0  }
0x4a: {  	v6 =	vld [tilespmem:s28+$0x9640];
	[tilespmem:s26+$0xD6D0] =	vst v7;
	v11 =	vadd.f32 v11, v3  }
0x4b: {  	v7 =	vld [tilespmem:s28+$0x9650];
	[tilespmem:s26+$0xD6E0] =	vst v8;
	v8 =	vadd.f32 v9, v2  }
0x4c: {  	v9 =	vld [tilespmem:s28+$0x9660];
	[tilespmem:s28+$0xD6F0] =	vst v11;
	v10 =	vadd.f32 v10, v1  }
0x4d: {  	[tilespmem:s28+$0xD600] =	vst v8;
	v8 =	vld [tilespmem:s28+$0x9670];
	v4 =	vadd.f32 v4, v0  }
0x4e: {  	[tilespmem:s28+$0xD610] =	vst v10;
	v10 =	vld [tilespmem:s28+$0x9680];
	v5 =	vadd.f32 v5, v3  }
0x4f: {  	[tilespmem:s28+$0xD620] =	vst v4;
	v4 =	vld [tilespmem:s28+$0x9690];
	v6 =	vadd.f32 v6, v2  }
0x50: {  	[tilespmem:s28+$0xD630] =	vst v5;
	v5 =	vld [tilespmem:s28+$0x96A0];
	v7 =	vadd.f32 v7, v1  }
0x51: {  	[tilespmem:s28+$0xD640] =	vst v6;
	v6 =	vld [tilespmem:s28+$0x96B0];
	v9 =	vadd.f32 v9, v0  }
0x52: {  	[tilespmem:s28+$0xD650] =	vst v7;
	v7 =	vld [tilespmem:s28+$0x96C0];
	v8 =	vadd.f32 v8, v3  }
0x53: {  	[tilespmem:s28+$0xD660] =	vst v9;
	v9 =	vld [tilespmem:s28+$0x96D0];
	v10 =	vadd.f32 v10, v2  }
0x54: {  	[tilespmem:s28+$0xD670] =	vst v8;
	v4 =	vadd.f32 v4, v1;
	v8 =	vld [tilespmem:s28+$0x96E0]  }
0x55: {  	[tilespmem:s28+$0xD680] =	vst v10;
	v5 =	vadd.f32 v5, v0  }
0x56: {  	[tilespmem:s28+$0xD690] =	vst v4;
	v3 =	vadd.f32 v6, v3  }
0x57: {  	[tilespmem:s28+$0xD6A0] =	vst v5;
	v2 =	vadd.f32 v7, v2  }
0x58: {  	p1 =	seq.s32 s24, $0x63;
	[tilespmem:s28+$0xD6B0] =	vst v3;
	v1 =	vadd.f32 v9, v1  }
0x59: {  	s26 =	sshll.u32 @!p1 s24, $0x8;
	[tilespmem:s28+$0xD6C0] =	vst v2;
	v0 =	vadd.f32 v8, v0  }
0x5a: {  	s26 =	sand.u32 @!p1 $0x3FFFFF00, s26;
	[tilespmem:s28+$0xD6D0] =	vst v1  }
0x5b: {  	s29 =	simm.s32 @!p1 $0x80;
	s30 =	simm.s32 @!p1 $0x9600;
	[tilespmem:s28+$0xD6E0] =	vst v0;
	s28 =	sadd.s32 @!p1 $0x100, s26  }
0x5c: {  	[tilespmem:s30], [sflag:$0x1] =	stream.indirect.gather @!p1 [hbm4b:s4+s29], $0x40, s28, s29, $0xb8;
	[tilespmem:$0x11600] =	vst v63  }
0x5d: {  	s28 =	sshll.u32 s24, $0x10  }
0x5e: {  	s28 =	sor.u32 s7, s28  }
0x5f: {  	s29 =	sadd.s32 s5, s28  }
0x60: {  	[hbm4b:s29+s17] =	stream.strided.scatter [tilespmem:s18], [sflag:$0x3], $0x2000, s10, s17, $0x38;
	[tilespmem:$0x11600] =	vst v63  }
0x61: {  	_ =	swait.ge [sflag:s19], $0x2000  }
0x62: {  	[sflag:s19] =	ssyncset.done $0x0  }
0x63: {  	s29 =	simm.s32 @!p0 $0x4;
	[sflag:s19] =	ssyncadd.s32 $0xFFFFE000  }
0x64: {  	_ =	swait.ge @!p0 [sflag:s29], $0x2000  }
0x65: {  	[sflag:s29] =	ssyncset.done @!p0 $0x0  }
0x66: {  	[sflag:s29] =	ssyncadd.s32 @!p0 $0xFFFFE000  }
0x67: {  	v2 =	vld [tilespmem:s25+$0x6440]  }
0x68: {  	v1 =	vld [tilespmem:s25+$0x6450]  }
0x69: {  	v0 =	vld [tilespmem:s25+$0x6460]  }
0x6a: {  	v3 =	vld [tilespmem:s25+$0x6470];
	s25 =	simm.s32 $0x0  }
0x6b: {  	v4 =	vld [tilespmem:s25+$0xB6F0]  }
0x6c: {  	v5 =	vld [tilespmem:s25+$0xB600]  }
0x6d: {  	v6 =	vld [tilespmem:s25+$0xB610]  }
0x6e: {  	v7 =	vld [tilespmem:s25+$0xB620]  }
0x6f: {  	v10 =	vld [tilespmem:s25+$0xB650]  }
0x70: {  	v8 =	vld [tilespmem:s25+$0xB630];
	v4 =	vadd.f32 v4, v3  }
0x71: {  	v9 =	vld [tilespmem:s25+$0xB640];
	v5 =	vadd.f32 v5, v2  }
0x72: {  	v11 =	vld [tilespmem:s25+$0xB660];
	[tilespmem:s25+$0xF6F0] =	vst v4;
	v4 =	vadd.f32 v6, v1  }
0x73: {  	v12 =	vld [tilespmem:s25+$0xB670];
	[tilespmem:s25+$0xF600] =	vst v5;
	v5 =	vadd.f32 v7, v0  }
0x74: {  	v6 =	vadd.f32 v10, v1;
	[tilespmem:s25+$0xF610] =	vst v4  }
0x75: {  	v13 =	vld [tilespmem:s25+$0xB680];
	v4 =	vadd.f32 v8, v3;
	[tilespmem:s25+$0xF620] =	vst v5  }
0x76: {  	v8 =	vld [tilespmem:s25+$0xB690];
	v5 =	vadd.f32 v9, v2;
	[tilespmem:s25+$0xF650] =	vst v6  }
0x77: {  	v7 =	vadd.f32 v11, v0;
	[tilespmem:s25+$0xF630] =	vst v4;
	v4 =	vld [tilespmem:s25+$0xB6A0]  }
0x78: {  	v9 =	vadd.f32 v12, v3;
	[tilespmem:s25+$0xF640] =	vst v5;
	v5 =	vld [tilespmem:s25+$0xB6B0]  }
0x79: {  	v6 =	vld [tilespmem:s25+$0xB6C0];
	[tilespmem:s25+$0xF660] =	vst v7  }
0x7a: {  	v7 =	vld [tilespmem:s25+$0xB6D0];
	[tilespmem:s25+$0xF670] =	vst v9;
	v9 =	vadd.f32 v13, v2  }
0x7b: {  	s30 =	simm.s32 $0x800;
	s29 =	simm.s32 $0x100;
	v10 =	vadd.f32 v8, v1;
	v8 =	vld [tilespmem:s25+$0xB6E0]  }
.LBB2_5:
0x7c: {  	p0 =	sne.s32 s30, $0x7C00;
	v11 =	vld [tilespmem:s29+$0xB6F0];
	[tilespmem:s25+$0xF680] =	vst v9;
	v4 =	vadd.f32 v4, v0  }
0x7d: {  	v9 =	vld [tilespmem:s29+$0xB600];
	[tilespmem:s25+$0xF690] =	vst v10;
	v5 =	vadd.f32 v5, v3  }
0x7e: {  	v10 =	vld [tilespmem:s29+$0xB610];
	[tilespmem:s25+$0xF6A0] =	vst v4;
	v4 =	vadd.f32 v6, v2  }
0x7f: {  	v6 =	vld [tilespmem:s29+$0xB620];
	[tilespmem:s25+$0xF6B0] =	vst v5;
	v5 =	vadd.f32 v7, v1  }
0x80: {  	v7 =	vld [tilespmem:s29+$0xB630];
	[tilespmem:s25+$0xF6C0] =	vst v4;
	v4 =	vadd.f32 v8, v0  }
0x81: {  	v8 =	vld [tilespmem:s29+$0xB640];
	v11 =	vadd.f32 v11, v3;
	[tilespmem:s25+$0xF6D0] =	vst v5  }
0x82: {  	v5 =	vadd.f32 v9, v2;
	v9 =	vld [tilespmem:s29+$0xB650];
	[tilespmem:s25+$0xF6E0] =	vst v4;
	s25 =	smov.u32 s29  }
0x83: {  	v4 =	vadd.f32 v10, v1;
	v10 =	vld [tilespmem:s25+$0xB660];
	[tilespmem:s25+$0xF6F0] =	vst v11  }
0x84: {  	[tilespmem:s25+$0xF600] =	vst v5;
	v5 =	vadd.f32 v6, v0;
	v6 =	vld [tilespmem:s25+$0xB670]  }
0x85: {  	[tilespmem:s25+$0xF610] =	vst v4;
	v4 =	vadd.f32 v7, v3;
	v7 =	vld [tilespmem:s25+$0xB680]  }
0x86: {  	[tilespmem:s25+$0xF620] =	vst v5;
	v5 =	vadd.f32 v8, v2;
	v8 =	vld [tilespmem:s25+$0xB690]  }
.Ltmp1:
0x87: {  	[tilespmem:s25+$0xF630] =	vst v4;
	v9 =	vadd.f32 v9, v1;
	v4 =	vld [tilespmem:s25+$0xB6A0];
	(pc) =	sbr.rel @p0 .LBB2_5-.Ltmp1, $4  }
0x88: {  	[tilespmem:s25+$0xF640] =	vst v5;
	v10 =	vadd.f32 v10, v0;
	v5 =	vld [tilespmem:s25+$0xB6B0]  }
0x89: {  	[tilespmem:s25+$0xF650] =	vst v9;
	v11 =	vadd.f32 v6, v3;
	v6 =	vld [tilespmem:s25+$0xB6C0]  }
0x8a: {  	[tilespmem:s25+$0xF660] =	vst v10;
	v9 =	vadd.f32 v7, v2;
	v7 =	vld [tilespmem:s25+$0xB6D0]  }
0x8b: {  	s29 =	sshra.s32 s30, $0x2;
	s30 =	sadd.s32 $0x400, s30;
	[tilespmem:s25+$0xF670] =	vst v11;
	v10 =	vadd.f32 v8, v1;
	v8 =	vld [tilespmem:s25+$0xB6E0]  }
0x8c: {  	v11 =	vld [tilespmem:s29+$0xB6F0];
	[tilespmem:s25+$0xF680] =	vst v9;
	v4 =	vadd.f32 v4, v0  }
0x8d: {  	v9 =	vld [tilespmem:s29+$0xB600];
	[tilespmem:s25+$0xF690] =	vst v10;
	v5 =	vadd.f32 v5, v3  }
0x8e: {  	v10 =	vld [tilespmem:s29+$0xB610];
	[tilespmem:s25+$0xF6A0] =	vst v4;
	v6 =	vadd.f32 v6, v2  }
0x8f: {  	v4 =	vld [tilespmem:s29+$0xB620];
	[tilespmem:s25+$0xF6B0] =	vst v5;
	v7 =	vadd.f32 v7, v1  }
0x90: {  	v5 =	vld [tilespmem:s29+$0xB630];
	[tilespmem:s25+$0xF6C0] =	vst v6;
	v8 =	vadd.f32 v8, v0  }
0x91: {  	v6 =	vld [tilespmem:s29+$0xB640];
	[tilespmem:s25+$0xF6D0] =	vst v7;
	v11 =	vadd.f32 v11, v3  }
0x92: {  	v7 =	vld [tilespmem:s29+$0xB650];
	[tilespmem:s25+$0xF6E0] =	vst v8;
	v50 =	vadd.f32 v9, v2  }
0x93: {  	v51 =	vld [tilespmem:s29+$0xB660];
	[tilespmem:s29+$0xF6F0] =	vst v11;
	v10 =	vadd.f32 v10, v1  }
0x94: {  	v52 =	vld [tilespmem:s29+$0xB670];
	[tilespmem:s29+$0xF600] =	vst v50;
	v4 =	vadd.f32 v4, v0  }
0x95: {  	v53 =	vld [tilespmem:s29+$0xB680];
	[tilespmem:s29+$0xF610] =	vst v10;
	v5 =	vadd.f32 v5, v3  }
0x96: {  	v54 =	vld [tilespmem:s29+$0xB690];
	[tilespmem:s29+$0xF620] =	vst v4;
	v6 =	vadd.f32 v6, v2  }
0x97: {  	v55 =	vld [tilespmem:s29+$0xB6A0];
	[tilespmem:s29+$0xF630] =	vst v5;
	v7 =	vadd.f32 v7, v1  }
0x98: {  	v56 =	vld [tilespmem:s29+$0xB6B0];
	[tilespmem:s29+$0xF640] =	vst v6;
	v9 =	vadd.f32 v51, v0  }
0x99: {  	v57 =	vld [tilespmem:s29+$0xB6C0];
	v8 =	vadd.f32 v52, v3;
	[tilespmem:s29+$0xF650] =	vst v7  }
0x9a: {  	v58 =	vld [tilespmem:s29+$0xB6D0];
	v10 =	vadd.f32 v53, v2;
	[tilespmem:s29+$0xF660] =	vst v9  }
0x9b: {  	v59 =	vld [tilespmem:s29+$0xB6E0];
	v4 =	vadd.f32 v54, v1;
	[tilespmem:s29+$0xF670] =	vst v8  }
0x9c: {  	v5 =	vadd.f32 v55, v0;
	[tilespmem:s29+$0xF680] =	vst v10  }
0x9d: {  	v60 =	vadd.f32 v56, v3;
	[tilespmem:s29+$0xF690] =	vst v4  }
0x9e: {  	v61 =	vadd.f32 v57, v2;
	[tilespmem:s29+$0xF6A0] =	vst v5  }
0x9f: {  	s24 =	sadd.s32 $0x1, s24;
	v62 =	vadd.f32 v58, v1;
	[tilespmem:s29+$0xF6B0] =	vst v60  }
0xa0: {  	p0 =	sne.s32 s24, $0x64;
	v63 =	vadd.f32 v59, v0;
	[tilespmem:s29+$0xF6C0] =	vst v61  }
.Ltmp2:
0xa1: {  	[tilespmem:s29+$0xF6D0] =	vst v62;
	(pc) =	sbr.rel @p0 .LBB2_2-.Ltmp2, $4  }
0xa2: {  	s25 =	sadd.s32 @!p1 $0x180, s26;
	s26 =	simm.s32 @!p1 $0x80;
	[tilespmem:s29+$0xF6E0] =	vst v63;
	s29 =	simm.s32 @!p1 $0xB600  }
0xa3: {  	[tilespmem:s29], [sflag:$0x2] =	stream.indirect.gather @!p1 [hbm4b:s4+s26], $0x40, s25, s26, $0xb8;
	[tilespmem:$0x11600] =	vst v63  }
0xa4: {  	s31 =	sadd.s32 s28, s8  }
0xa5: {  	[hbm4b:s31+s17] =	stream.strided.scatter [tilespmem:s20], [sflag:$0x4], $0x2000, s10, s17, $0x38;
	[tilespmem:$0x11600] =	vst v63  }
0xa6: {  	s23 =	sadd.s32 $0x1, s23  }
0xa7: {  	_ =	swait.ge [sflag:s21], $0x2000;
	p0 =	sne.s32 s23, s9  }
.Ltmp3:
0xa8: {  	[sflag:s21] =	ssyncset.done $0x0;
	(pc) =	sbr.rel @p0 .LBB2_1-.Ltmp3, $4  }
0xa9: {  	[sflag:s21] =	ssyncadd.s32 $0xFFFFE000  }
0xaa: {  	_ =	swait.ge [sflag:s22], $0x2000  }
0xab: {  	[sflag:s22] =	ssyncset.done $0x0  }
0xac: {  	[sflag:s22] =	ssyncadd.s32 $0xFFFFE000  }
0xad: {  	_ =	sfence.sel $0x180000  }
0xae: {  	[bflag:$0x0] =	sbarrier.arrive $0xFFFF  }
0xaf: {  	p0 =	sne.s32 s2, $0x0;
	_ =	strace $0x90000047  }
0xb0: {  	s0 =	sadd.s32 @!p0 $0x100000, s0;
	[bflag:$0x2] =	sbarrier.arrive $0xFFFF  }
0xb1: {  	[sflag:s0] =	ssyncadd.tile.s32 @!p0 $0x1;
	_ =	shalt  }
.Lfunc_end2:
_tile_overlayer_lowered:
.L_overlay_start_2:
0xb2: {  	(tag) =	ssettag $0x2  }
0xb3: {  	s0 =	rddreg [dreg:$0x0];
	s2 =	stileid.u32  }
0xb4: {  	s1 =	rddreg [dreg:$0x1];
	p0 =	sne.s32 s2, $0x0  }
0xb5: {  	s3 =	rddreg [dreg:$0x2];
	[bflag:$0x3] =	sbarrier.arrive $0xFFFF;
	s2 =	simm.s32 @!p0 $0x1C05  }
0xb6: {  	[timem:s3], [sflag:s2] =	dma.local @!p0 [hbm:s0], s1  }
0xb7: {  	s0 =	simm.s32 @!p0 $0x5  }
0xb8: {  	_ =	swait.ge @!p0 [sflag:s0], s1  }
0xb9: {  	s1 =	ssub.s32 @!p0 $0x0, s1;
	[sflag:s0] =	ssyncset.done @!p0 $0x0  }
0xba: {  	[sflag:s0] =	ssyncadd.s32 @!p0 s1  }
0xbb: {  	[bflag:$0x3] =	sbarrier.arrive $0xFFFF  }
0xbc: {  	_ =	shalt  }

</sc_bundles>
